<compile_context>
chip_gen: v7x
topology: tpu7x:2x2x1
jax: 0.10.2.dev20260603
libtpu: 0.0.44.dev20260713+nightly
codegen_flags: <defaults>
</compile_context>

<pallas_src>
import functools

import jax
import jax.numpy as jnp
from jax import lax
from jax.experimental import pallas as pl
from jax.experimental.pallas import tpu as pltpu
from jax.experimental.pallas import tpu_sc as plsc

D_MODEL = 1024
D_HIDDEN = 4096
N_EXP = 8
SEQ = 2048
HB = 1024
NH = D_HIDDEN // HB
BT = 256
NBLK = 2 * SEQ // BT + N_EXP
PAD = NBLK * BT
NW = 32
TPW = SEQ // NW



def _prep_kernel(x_ref, wg_ref, bg_ref, w2_ref,
                 slota_ref, slotb_ref, g1_ref, g2_ref, eid_ref, w2s_ref):
    e = pl.program_id(0)
    h = pl.program_id(1)

    @pl.when((e == 0) & (h == 0))
    def _gate():
        logits = jnp.dot(x_ref[...], wg_ref[...],
                         preferred_element_type=jnp.float32) + bg_ref[...]
        col = lax.broadcasted_iota(jnp.int32, logits.shape, 1)
        v1 = jnp.max(logits, axis=1, keepdims=True)
        i1 = jnp.min(jnp.where(logits == v1, col, N_EXP), axis=1,
                     keepdims=True)
        masked = jnp.where(col == i1, -jnp.inf, logits)
        v2 = jnp.max(masked, axis=1, keepdims=True)
        i2 = jnp.min(jnp.where(masked == v2, col, N_EXP), axis=1,
                     keepdims=True)
        ev2 = jnp.exp(v2 - v1)
        g1_ref[...] = 1.0 / (1.0 + ev2)
        g2_ref[...] = ev2 / (1.0 + ev2)
        oh1 = (col == i1).astype(jnp.float32)
        oh2 = (col == i2).astype(jnp.float32)
        rr = lax.broadcasted_iota(jnp.int32, (SEQ, SEQ), 0)
        cc = lax.broadcasted_iota(jnp.int32, (SEQ, SEQ), 1)
        ltri = (rr >= cc).astype(jnp.float32)
        ca = jnp.dot(ltri, oh1, preferred_element_type=jnp.float32)
        cb = jnp.dot(ltri, oh2, preferred_element_type=jnp.float32)
        c1 = ca[SEQ - 1:SEQ, :]
        cnt = c1 + cb[SEQ - 1:SEQ, :]
        nblk_e = jnp.ceil(cnt / BT)
        re = lax.broadcasted_iota(jnp.int32, (N_EXP, N_EXP), 0)
        ce = lax.broadcasted_iota(jnp.int32, (N_EXP, N_EXP), 1)
        strict = (re < ce).astype(jnp.float32)
        po = jnp.dot(nblk_e, strict,
                     preferred_element_type=jnp.float32)
        ranka = jnp.sum(ca * oh1, axis=1, keepdims=True) - 1.0
        rankb = jnp.sum((cb + c1) * oh2, axis=1, keepdims=True) - 1.0
        offa = jnp.sum(po * oh1, axis=1, keepdims=True) * BT
        offb = jnp.sum(po * oh2, axis=1, keepdims=True) * BT
        slota_ref[...] = (offa + ranka).astype(jnp.int32)
        slotb_ref[...] = (offb + rankb).astype(jnp.int32)
        eye = (re == ce).astype(jnp.float32)
        po_col = jnp.sum(jnp.broadcast_to(po, (N_EXP, N_EXP)) * eye,
                         axis=1, keepdims=True)
        nb_col = jnp.sum(jnp.broadcast_to(nblk_e, (N_EXP, N_EXP)) * eye,
                         axis=1, keepdims=True)
        bi = lax.broadcasted_iota(jnp.int32, (N_EXP, 128), 1).astype(
            jnp.float32)
        valid = ((bi >= po_col) & (bi < po_col + nb_col)).astype(jnp.float32)
        ei = lax.broadcasted_iota(jnp.int32, (N_EXP, 128), 0).astype(
            jnp.float32)
        esum = jnp.sum(valid * ei, axis=0, keepdims=True)
        vany = jnp.sum(valid, axis=0, keepdims=True)
        eid_ref[...] = jnp.where(vany > 0.0, esum, -1.0).astype(jnp.int32)

    w2s_ref[0] = jnp.sum(w2_ref[0], axis=1, keepdims=True)


def _run_prep(xt, Wg, bg, W2):
    return pl.pallas_call(
        _prep_kernel,
        grid=(N_EXP, NH),
        in_specs=[
            pl.BlockSpec((SEQ, D_MODEL), lambda e, h: (0, 0)),
            pl.BlockSpec((D_MODEL, N_EXP), lambda e, h: (0, 0)),
            pl.BlockSpec((1, N_EXP), lambda e, h: (0, 0)),
            pl.BlockSpec((1, HB, D_MODEL), lambda e, h: (e, h, 0)),
        ],
        out_specs=[
            pl.BlockSpec((SEQ, 1), lambda e, h: (0, 0)),
            pl.BlockSpec((SEQ, 1), lambda e, h: (0, 0)),
            pl.BlockSpec((SEQ, 1), lambda e, h: (0, 0)),
            pl.BlockSpec((SEQ, 1), lambda e, h: (0, 0)),
            pl.BlockSpec((1, 128), lambda e, h: (0, 0)),
            pl.BlockSpec((1, HB, 1), lambda e, h: (e, h, 0)),
        ],
        out_shape=[
            jax.ShapeDtypeStruct((SEQ, 1), jnp.int32),
            jax.ShapeDtypeStruct((SEQ, 1), jnp.int32),
            jax.ShapeDtypeStruct((SEQ, 1), jnp.float32),
            jax.ShapeDtypeStruct((SEQ, 1), jnp.float32),
            jax.ShapeDtypeStruct((1, 128), jnp.int32),
            jax.ShapeDtypeStruct((N_EXP, D_HIDDEN, 1), jnp.float32),
        ],
    )(xt, Wg, bg.reshape(1, N_EXP), W2)



def _sc_scatter_body(x_hbm, slota_hbm, slotb_hbm, xg_hbm,
                     idxa_v, idxb_v, rows_v, sem):
    wid = lax.axis_index("s") * 2 + lax.axis_index("c")
    base = wid * TPW
    pltpu.sync_copy(slota_hbm.at[pl.ds(base, TPW)], idxa_v)
    pltpu.sync_copy(slotb_hbm.at[pl.ds(base, TPW)], idxb_v)
    pltpu.sync_copy(x_hbm.at[pl.ds(base, TPW)], rows_v)
    pltpu.async_copy(rows_v, xg_hbm.at[idxa_v], sem).wait()
    pltpu.async_copy(rows_v, xg_hbm.at[idxb_v], sem).wait()


def _run_sc_scatter(xt, slota, slotb):
    mesh = plsc.VectorSubcoreMesh(core_axis_name="c", subcore_axis_name="s")
    fn = functools.partial(
        pl.kernel, mesh=mesh,
        out_type=jax.ShapeDtypeStruct((PAD, D_MODEL), jnp.float32),
        scratch_types=[
            pltpu.VMEM((TPW,), jnp.int32),
            pltpu.VMEM((TPW,), jnp.int32),
            pltpu.VMEM((TPW, D_MODEL), jnp.float32),
            pltpu.SemaphoreType.DMA,
        ],
    )(_sc_scatter_body)
    return fn(xt, slota, slotb)



def _gemm_kernel(eid_ref, xg_ref, w1_ref, b1_ref, w2s_ref, b2_ref, out_ref):
    b = pl.program_id(0)
    h = pl.program_id(1)
    eid = eid_ref[b]

    @pl.when(h == 0)
    def _init():
        out_ref[...] = jnp.full((BT, 1), jnp.sum(b2_ref[...]), jnp.float32)

    @pl.when(eid >= 0)
    def _compute():
        pre = jnp.dot(xg_ref[...], w1_ref[0],
                      preferred_element_type=jnp.float32) + b1_ref[0]
        hact = jax.nn.gelu(pre, approximate=True)
        out_ref[...] += jnp.dot(hact, w2s_ref[0],
                                preferred_element_type=jnp.float32)


def _run_gemm(eid, xg, W1, b1, w2s, b2):
    def _e(b, h, eref):
        return jnp.maximum(eref[b], 0)

    return pl.pallas_call(
        _gemm_kernel,
        grid_spec=pltpu.PrefetchScalarGridSpec(
            num_scalar_prefetch=1,
            grid=(NBLK, NH),
            in_specs=[
                pl.BlockSpec((BT, D_MODEL), lambda b, h, eref: (b, 0)),
                pl.BlockSpec((1, D_MODEL, HB),
                             lambda b, h, eref: (_e(b, h, eref), 0, h)),
                pl.BlockSpec((1, 1, HB),
                             lambda b, h, eref: (_e(b, h, eref), 0, h)),
                pl.BlockSpec((1, HB, 1),
                             lambda b, h, eref: (_e(b, h, eref), h, 0)),
                pl.BlockSpec((1, 1, D_MODEL),
                             lambda b, h, eref: (_e(b, h, eref), 0, 0)),
            ],
            out_specs=pl.BlockSpec((BT, 1), lambda b, h, eref: (b, 0)),
        ),
        out_shape=jax.ShapeDtypeStruct((PAD, 1), jnp.float32),
    )(eid, xg, W1, b1.reshape(N_EXP, 1, D_HIDDEN), w2s,
      b2.reshape(N_EXP, 1, D_MODEL))



def _sc_combine_body(s_hbm, slota_hbm, slotb_hbm, g1_hbm, g2_hbm, out_hbm,
                     idxa_v, idxb_v, ga_v, gb_v, sa_v, sb_v, o_v, sem):
    wid = lax.axis_index("s") * 2 + lax.axis_index("c")
    base = wid * TPW
    pltpu.sync_copy(slota_hbm.at[pl.ds(base, TPW)], idxa_v)
    pltpu.sync_copy(slotb_hbm.at[pl.ds(base, TPW)], idxb_v)
    pltpu.sync_copy(g1_hbm.at[pl.ds(base, TPW)], ga_v)
    pltpu.sync_copy(g2_hbm.at[pl.ds(base, TPW)], gb_v)
    pltpu.async_copy(s_hbm.at[idxa_v], sa_v, sem).wait()
    pltpu.async_copy(s_hbm.at[idxb_v], sb_v, sem).wait()
    for j in range(TPW // 16):
        sl = pl.ds(j * 16, 16)
        o_v[sl] = ga_v[sl] * sa_v[sl] + gb_v[sl] * sb_v[sl]
    pltpu.sync_copy(o_v, out_hbm.at[pl.ds(base, TPW)])


def _run_sc_combine(s_sorted, slota, slotb, g1, g2):
    mesh = plsc.VectorSubcoreMesh(core_axis_name="c", subcore_axis_name="s")
    fn = functools.partial(
        pl.kernel, mesh=mesh,
        out_type=jax.ShapeDtypeStruct((SEQ,), jnp.float32),
        scratch_types=[
            pltpu.VMEM((TPW,), jnp.int32),
            pltpu.VMEM((TPW,), jnp.int32),
            pltpu.VMEM((TPW,), jnp.float32),
            pltpu.VMEM((TPW,), jnp.float32),
            pltpu.VMEM((TPW,), jnp.float32),
            pltpu.VMEM((TPW,), jnp.float32),
            pltpu.VMEM((TPW,), jnp.float32),
            pltpu.SemaphoreType.DMA,
        ],
    )(_sc_combine_body)
    return fn(s_sorted, slota, slotb, g1, g2)



def _lsm_kernel(s_ref, o_ref):
    sm = s_ref[...]
    m = jnp.max(sm)
    o_ref[...] = sm - m - jnp.log(jnp.sum(jnp.exp(sm - m)))


def _run_lsm(summed):
    return pl.pallas_call(
        _lsm_kernel,
        out_shape=jax.ShapeDtypeStruct((1, SEQ), jnp.float32),
    )(summed)


@jax.jit
def kernel(input, Wg, bg, W1, b1, W2, b2):
    B, S, D = input.shape
    xt = input.reshape(S, D)
    slota, slotb, g1, g2, eid, w2s = _run_prep(xt, Wg, bg, W2)
    slota = slota.reshape(SEQ)
    slotb = slotb.reshape(SEQ)
    xg = _run_sc_scatter(xt, slota, slotb)
    s_sorted = _run_gemm(eid.reshape(128)[:NBLK], xg, W1, b1, w2s, b2)
    return (s_sorted.reshape(PAD)[:SEQ] + g1.reshape(SEQ)).reshape(B, S)

# --- scband reference (transcript-rebuilt; emitter-appended) ---
"""Pipeline reference for scband-example-model-59055800320697 (READ-ONLY COPY).

The authoritative reference and input builder live on the scoring server;
editing this copy changes nothing except your own understanding.
"""

import jax, jax.numpy as jnp
import numpy as np

D_MODEL = 1024
D_HIDDEN = 4096
NUM_EXPERTS = 8
TOP_K = 2
BATCH = 1
SEQ = 2048


def setup_inputs(seed: int = 0) -> dict:
    key = jax.random.key(seed)
    ks = jax.random.split(key, 8)
    inp = {}
    inp["input"] = jax.random.normal(ks[0], (BATCH, SEQ, D_MODEL), dtype=jnp.float32)
    # NaiveGate linear: d_model -> num_experts
    inp["Wg"] = jax.random.normal(ks[1], (D_MODEL, NUM_EXPERTS), dtype=jnp.float32) * (1.0 / np.sqrt(D_MODEL))
    inp["bg"] = jnp.zeros((NUM_EXPERTS,), dtype=jnp.float32)
    # Expert FFN weights: [E, d_model, d_hidden], [E, d_hidden], [E, d_hidden, d_model], [E, d_model]
    inp["W1"] = jax.random.normal(ks[2], (NUM_EXPERTS, D_MODEL, D_HIDDEN), dtype=jnp.float32) * (1.0 / np.sqrt(D_MODEL))
    inp["b1"] = jnp.zeros((NUM_EXPERTS, D_HIDDEN), dtype=jnp.float32)
    inp["W2"] = jax.random.normal(ks[3], (NUM_EXPERTS, D_HIDDEN, D_MODEL), dtype=jnp.float32) * (1.0 / np.sqrt(D_HIDDEN))
    inp["b2"] = jnp.zeros((NUM_EXPERTS, D_MODEL), dtype=jnp.float32)
    return inp


def reference(input, Wg, bg, W1, b1, W2, b2):
    B, S, D = input.shape
    T = B * S
    xt = input.reshape(T, D)
    # NaiveGate: linear -> top_k -> softmax over selected logits
    logits = xt @ Wg + bg
    top_v, top_i = jax.lax.top_k(logits, TOP_K)
    gate_score = jax.nn.softmax(top_v, axis=-1)
    # combine weights matrix [T, E] (scatter-add of top-k gate scores)
    combine = jnp.zeros((T, NUM_EXPERTS), dtype=xt.dtype)
    combine = combine.at[jnp.arange(T)[:, None], top_i].add(gate_score)
    # expert MLPs: Linear -> GELU -> Linear, combined by gate weights
    y = jnp.zeros_like(xt)
    for e in range(NUM_EXPERTS):
        h = jax.nn.gelu(xt @ W1[e] + b1[e])
        o = h @ W2[e] + b2[e]
        y = y + combine[:, e:e + 1] * o
    moe_out = y.reshape(B, S, D)
    # ExampleModel head: log_softmax(sum over feature dim, dim=1)
    summed = jnp.sum(moe_out, axis=2)
    return jax.nn.log_softmax(summed, axis=1)

if __name__ == "__main__":
    import jax
    _d = setup_inputs()
    print(jax.jit(kernel)(*tuple(_d.values())))

</pallas_src>

<mosaic_0001>
#map = affine_map<(d0, d1) -> (0, 0)>
#map1 = affine_map<(d0, d1) -> (0)>
module attributes {stable_mosaic.version = 14 : i64} {
  func.func @_sc_scatter_body(%arg0: i32, %arg1: i32, %arg2: memref<2048x1024xf32, #tpu.memory_space<hbm>>, %arg3: memref<2048xi32, #tpu.memory_space<hbm>>, %arg4: memref<2048xi32, #tpu.memory_space<hbm>>, %arg5: memref<6144x1024xf32, #tpu.memory_space<hbm>>, %arg6: memref<64xi32, #tpu.memory_space<vmem>>, %arg7: memref<64xi32, #tpu.memory_space<vmem>>, %arg8: memref<64x1024xf32, #tpu.memory_space<vmem>>, %arg9: memref<!tpu.dma_semaphore, #tpu.memory_space<semaphore_mem>>) attributes {dimension_semantics = [#tpu.dimension_semantics<core_parallel>, #tpu.dimension_semantics<subcore_parallel>], iteration_bounds = array<i64: 2, 16>, scalar_prefetch = 0 : i64, scratch_operands = 4 : i64, tpu.core_type = #tpu.core_type<sc_vector_subcore>, window_params = [{transform_indices = #map}, {transform_indices = #map1}, {transform_indices = #map1}, {transform_indices = #map}]} {
    %mul3A = arith.constant 2 : i32
    %mul3A_0 = arith.muli %arg1, %mul3A : i32
    %add3A = arith.addi %mul3A_0, %arg0 : i32
    %mul3A_1 = arith.constant 64 : i32
    %mul3A_2 = arith.muli %add3A, %mul3A_1 : i32
    "tpu.region"() ({
      %run_scoped3A = tpu.sem_alloc : memref<!tpu.dma_semaphore, #tpu.memory_space<semaphore_mem>>
      %dma_start3A_13 = tpu.memref_slice %arg3[%mul3A_2] : memref<2048xi32, #tpu.memory_space<hbm>> -> memref<64xi32, #tpu.memory_space<hbm>>
      %dma_start3A_14 = tpu.memref_slice %arg3[%mul3A_2] : memref<2048xi32, #tpu.memory_space<hbm>> -> memref<64xi32, #tpu.memory_space<hbm>>
      tpu.enqueue_dma source(%dma_start3A_14 : memref<64xi32, #tpu.memory_space<hbm>>) target(%arg6 : memref<64xi32, #tpu.memory_space<vmem>>) target_semaphore(%run_scoped3A : memref<!tpu.dma_semaphore, #tpu.memory_space<semaphore_mem>>)
      %dma_wait3A_15 = tpu.memref_slice %arg3[%mul3A_2] : memref<2048xi32, #tpu.memory_space<hbm>> -> memref<64xi32, #tpu.memory_space<hbm>>
      %dma_wait3A_16 = tpu.memref_slice %arg3[%mul3A_2] : memref<2048xi32, #tpu.memory_space<hbm>> -> memref<64xi32, #tpu.memory_space<hbm>>
      tpu.wait_dma2 semaphore(%run_scoped3A : memref<!tpu.dma_semaphore, #tpu.memory_space<semaphore_mem>>) src(%dma_wait3A_16 : memref<64xi32, #tpu.memory_space<hbm>>) dst(%arg6 : memref<64xi32, #tpu.memory_space<vmem>>)
      tpu.yield
    }) : () -> ()
    "tpu.region"() ({
      %run_scoped3A = tpu.sem_alloc : memref<!tpu.dma_semaphore, #tpu.memory_space<semaphore_mem>>
      %dma_start3A_13 = tpu.memref_slice %arg4[%mul3A_2] : memref<2048xi32, #tpu.memory_space<hbm>> -> memref<64xi32, #tpu.memory_space<hbm>>
      %dma_start3A_14 = tpu.memref_slice %arg4[%mul3A_2] : memref<2048xi32, #tpu.memory_space<hbm>> -> memref<64xi32, #tpu.memory_space<hbm>>
      tpu.enqueue_dma source(%dma_start3A_14 : memref<64xi32, #tpu.memory_space<hbm>>) target(%arg7 : memref<64xi32, #tpu.memory_space<vmem>>) target_semaphore(%run_scoped3A : memref<!tpu.dma_semaphore, #tpu.memory_space<semaphore_mem>>)
      %dma_wait3A_15 = tpu.memref_slice %arg4[%mul3A_2] : memref<2048xi32, #tpu.memory_space<hbm>> -> memref<64xi32, #tpu.memory_space<hbm>>
      %dma_wait3A_16 = tpu.memref_slice %arg4[%mul3A_2] : memref<2048xi32, #tpu.memory_space<hbm>> -> memref<64xi32, #tpu.memory_space<hbm>>
      tpu.wait_dma2 semaphore(%run_scoped3A : memref<!tpu.dma_semaphore, #tpu.memory_space<semaphore_mem>>) src(%dma_wait3A_16 : memref<64xi32, #tpu.memory_space<hbm>>) dst(%arg7 : memref<64xi32, #tpu.memory_space<vmem>>)
      tpu.yield
    }) : () -> ()
    "tpu.region"() ({
      %run_scoped3A = tpu.sem_alloc : memref<!tpu.dma_semaphore, #tpu.memory_space<semaphore_mem>>
      %dma_start3A_13 = arith.constant 0 : i32
      %dma_start3A_14 = tpu.memref_slice %arg2[%mul3A_2, %dma_start3A_13] : memref<2048x1024xf32, #tpu.memory_space<hbm>> -> memref<64x1024xf32, #tpu.memory_space<hbm>>
      %dma_start3A_15 = arith.constant 0 : i32
      %dma_start3A_16 = tpu.memref_slice %arg2[%mul3A_2, %dma_start3A_15] : memref<2048x1024xf32, #tpu.memory_space<hbm>> -> memref<64x1024xf32, #tpu.memory_space<hbm>>
      tpu.enqueue_dma source(%dma_start3A_16 : memref<64x1024xf32, #tpu.memory_space<hbm>>) target(%arg8 : memref<64x1024xf32, #tpu.memory_space<vmem>>) target_semaphore(%run_scoped3A : memref<!tpu.dma_semaphore, #tpu.memory_space<semaphore_mem>>)
      %dma_wait3A_17 = arith.constant 0 : i32
      %dma_wait3A_18 = tpu.memref_slice %arg2[%mul3A_2, %dma_wait3A_17] : memref<2048x1024xf32, #tpu.memory_space<hbm>> -> memref<64x1024xf32, #tpu.memory_space<hbm>>
      %dma_wait3A_19 = arith.constant 0 : i32
      %dma_wait3A_20 = tpu.memref_slice %arg2[%mul3A_2, %dma_wait3A_19] : memref<2048x1024xf32, #tpu.memory_space<hbm>> -> memref<64x1024xf32, #tpu.memory_space<hbm>>
      tpu.wait_dma2 semaphore(%run_scoped3A : memref<!tpu.dma_semaphore, #tpu.memory_space<semaphore_mem>>) src(%dma_wait3A_20 : memref<64x1024xf32, #tpu.memory_space<hbm>>) dst(%arg8 : memref<64x1024xf32, #tpu.memory_space<vmem>>)
      tpu.yield
    }) : () -> ()
    %dma_start3A = arith.constant 0 : i32
    %dma_start3A_3 = arith.constant 0 : i32
    %dma_start3A_4 = tpu.memref_slice %arg5[%dma_start3A, %dma_start3A_3] : memref<6144x1024xf32, #tpu.memory_space<hbm>> -> memref<6144x1024xf32, #tpu.memory_space<hbm>>
    tpu.enqueue_indirect_dma source(%arg8 : memref<64x1024xf32, #tpu.memory_space<vmem>>) target(%dma_start3A_4 : memref<6144x1024xf32, #tpu.memory_space<hbm>>) offsets(%arg6 : memref<64xi32, #tpu.memory_space<vmem>>) semaphore(%arg9 : memref<!tpu.dma_semaphore, #tpu.memory_space<semaphore_mem>>)
    %dma_wait3A = arith.constant 0 : i32
    %dma_wait3A_5 = arith.constant 0 : i32
    %dma_wait3A_6 = tpu.memref_slice %arg5[%dma_wait3A, %dma_wait3A_5] : memref<6144x1024xf32, #tpu.memory_space<hbm>> -> memref<6144x1024xf32, #tpu.memory_space<hbm>>
    tpu.wait_indirect_dma semaphore(%arg9 : memref<!tpu.dma_semaphore, #tpu.memory_space<semaphore_mem>>) src(%arg8 : memref<64x1024xf32, #tpu.memory_space<vmem>>) dst(%dma_wait3A_6 : memref<6144x1024xf32, #tpu.memory_space<hbm>>)
    %dma_start3A_7 = arith.constant 0 : i32
    %dma_start3A_8 = arith.constant 0 : i32
    %dma_start3A_9 = tpu.memref_slice %arg5[%dma_start3A_7, %dma_start3A_8] : memref<6144x1024xf32, #tpu.memory_space<hbm>> -> memref<6144x1024xf32, #tpu.memory_space<hbm>>
    tpu.enqueue_indirect_dma source(%arg8 : memref<64x1024xf32, #tpu.memory_space<vmem>>) target(%dma_start3A_9 : memref<6144x1024xf32, #tpu.memory_space<hbm>>) offsets(%arg7 : memref<64xi32, #tpu.memory_space<vmem>>) semaphore(%arg9 : memref<!tpu.dma_semaphore, #tpu.memory_space<semaphore_mem>>)
    %dma_wait3A_10 = arith.constant 0 : i32
    %dma_wait3A_11 = arith.constant 0 : i32
    %dma_wait3A_12 = tpu.memref_slice %arg5[%dma_wait3A_10, %dma_wait3A_11] : memref<6144x1024xf32, #tpu.memory_space<hbm>> -> memref<6144x1024xf32, #tpu.memory_space<hbm>>
    tpu.wait_indirect_dma semaphore(%arg9 : memref<!tpu.dma_semaphore, #tpu.memory_space<semaphore_mem>>) src(%arg8 : memref<64x1024xf32, #tpu.memory_space<vmem>>) dst(%dma_wait3A_12 : memref<6144x1024xf32, #tpu.memory_space<hbm>>)
    return
  }
}

module attributes {stable_mosaic.version = 14 : i64} {
  func.func @_prep_kernel(%arg0: i32, %arg1: i32, %arg2: memref<2048x1024xf32, #tpu.memory_space<vmem>>, %arg3: memref<1024x8xf32, #tpu.memory_space<vmem>>, %arg4: memref<1x8xf32, #tpu.memory_space<vmem>>, %arg5: memref<1x1024x1024xf32, #tpu.memory_space<vmem>>, %arg6: memref<2048x1xi32, #tpu.memory_space<vmem>>, %arg7: memref<2048x1xi32, #tpu.memory_space<vmem>>, %arg8: memref<2048x1xf32, #tpu.memory_space<vmem>>, %arg9: memref<2048x1xf32, #tpu.memory_space<vmem>>, %arg10: memref<1x128xi32, #tpu.memory_space<vmem>>, %arg11: memref<1x1024x1xf32, #tpu.memory_space<vmem>>) attributes {dimension_semantics = [#tpu.dimension_semantics<arbitrary>, #tpu.dimension_semantics<arbitrary>], iteration_bounds = array<i64: 8, 4>, scalar_prefetch = 0 : i64, scratch_operands = 0 : i64, tpu.core_type = #tpu.core_type<tc>, window_params = [{pipeline_mode = #tpu.pipeline_mode<synchronous>, transform_indices = @transform_0, window_bounds = array<i64: 2048, 1024>}, {pipeline_mode = #tpu.pipeline_mode<synchronous>, transform_indices = @transform_1, window_bounds = array<i64: 1024, 8>}, {pipeline_mode = #tpu.pipeline_mode<synchronous>, transform_indices = @transform_2, window_bounds = array<i64: 1, 8>}, {transform_indices = @transform_3, window_bounds = array<i64: 1, 1024, 1024>}, {pipeline_mode = #tpu.pipeline_mode<synchronous>, transform_indices = @transform_4, window_bounds = array<i64: 2048, 1>}, {pipeline_mode = #tpu.pipeline_mode<synchronous>, transform_indices = @transform_5, window_bounds = array<i64: 2048, 1>}, {pipeline_mode = #tpu.pipeline_mode<synchronous>, transform_indices = @transform_6, window_bounds = array<i64: 2048, 1>}, {pipeline_mode = #tpu.pipeline_mode<synchronous>, transform_indices = @transform_7, window_bounds = array<i64: 2048, 1>}, {pipeline_mode = #tpu.pipeline_mode<synchronous>, transform_indices = @transform_8, window_bounds = array<i64: 1, 128>}, {transform_indices = @transform_9, window_bounds = array<i64: 1, 1024, 1>}]} {
    %eq3A = arith.constant 0 : i32
    %eq3A_0 = arith.cmpi eq, %arg0, %eq3A : i32
    %eq3A_1 = arith.constant 0 : i32
    %eq3A_2 = arith.cmpi eq, %arg1, %eq3A_1 : i32
    %and3A = arith.andi %eq3A_0, %eq3A_2 : i1
    %convert_element_type3A = arith.extui %and3A : i1 to i32
    %cond3A = arith.constant 0 : i32
    %cond3A_3 = arith.cmpi ne, %convert_element_type3A, %cond3A : i32
    scf.if %cond3A_3 {
      %get3A_14 = arith.constant 0 : index
      %get3A_15 = arith.constant 0 : index
      %get3A_16 = vector.load %arg2[%get3A_14, %get3A_15] : memref<2048x1024xf32, #tpu.memory_space<vmem>>, vector<2048x1024xf32>
      %get3A_17 = arith.constant 0 : index
      %get3A_18 = arith.constant 0 : index
      %get3A_19 = vector.load %arg3[%get3A_17, %get3A_18] : memref<1024x8xf32, #tpu.memory_space<vmem>>, vector<1024x8xf32>
      %dot_general3A = arith.constant dense<0.000000e+00> : vector<2048x8xf32>
      %dot_general3A_20 = tpu.matmul %get3A_16, %get3A_19, %dot_general3A {dimension_numbers = #tpu.dot_dimension_numbers<[1], [0], [0], [1], [0, 0, 1, 1], [], []>, transpose_lhs_hint = false} : vector<2048x1024xf32>, vector<1024x8xf32>, vector<2048x8xf32> -> vector<2048x8xf32>
      %get3A_21 = arith.constant 0 : index
      %get3A_22 = arith.constant 0 : index
      %get3A_23 = vector.load %arg4[%get3A_21, %get3A_22] : memref<1x8xf32, #tpu.memory_space<vmem>>, vector<1x8xf32>
      %add3A = vector.broadcast %get3A_23 : vector<1x8xf32> to vector<2048x8xf32>
      %add3A_24 = arith.addf %dot_general3A_20, %add3A : vector<2048x8xf32>
      %iota3A = tpu.iota {dimensions = array<i32: 1>} : vector<2048x8xi32>
      %reduce_max3A = arith.constant dense<0xFF800000> : vector<2048xf32>
      %reduce_max3A_25 = vector.multi_reduction <maximumf>, %add3A_24, %reduce_max3A [1] : vector<2048x8xf32> to vector<2048xf32>
      %broadcast_in_dim3A_26 = vector.shape_cast %reduce_max3A_25 : vector<2048xf32> to vector<2048x1xf32>
      %eq3A_27 = vector.broadcast %broadcast_in_dim3A_26 : vector<2048x1xf32> to vector<2048x8xf32>
      %eq3A_28 = arith.cmpf oeq, %add3A_24, %eq3A_27 : vector<2048x8xf32>
      %jit3A = arith.constant 8 : i32
      %broadcast_in_dim3A_29 = vector.broadcast %jit3A : i32 to vector<2048x8xi32>
      %select_n3A = arith.select %eq3A_28, %iota3A, %broadcast_in_dim3A_29 : vector<2048x8xi1>, vector<2048x8xi32>
      %reduce_min3A = arith.constant dense<2147483647> : vector<2048xi32>
      %reduce_min3A_30 = vector.multi_reduction <minsi>, %select_n3A, %reduce_min3A [1] : vector<2048x8xi32> to vector<2048xi32>
      %broadcast_in_dim3A_31 = vector.shape_cast %reduce_min3A_30 : vector<2048xi32> to vector<2048x1xi32>
      %eq3A_32 = vector.broadcast %broadcast_in_dim3A_31 : vector<2048x1xi32> to vector<2048x8xi32>
      %eq3A_33 = arith.cmpi eq, %iota3A, %eq3A_32 : vector<2048x8xi32>
      %jit3A_34 = arith.constant 0xFF800000 : f32
      %broadcast_in_dim3A_35 = vector.broadcast %jit3A_34 : f32 to vector<2048x8xf32>
      %select_n3A_36 = arith.select %eq3A_33, %broadcast_in_dim3A_35, %add3A_24 : vector<2048x8xi1>, vector<2048x8xf32>
      %reduce_max3A_37 = arith.constant dense<0xFF800000> : vector<2048xf32>
      %reduce_max3A_38 = vector.multi_reduction <maximumf>, %select_n3A_36, %reduce_max3A_37 [1] : vector<2048x8xf32> to vector<2048xf32>
      %broadcast_in_dim3A_39 = vector.shape_cast %reduce_max3A_38 : vector<2048xf32> to vector<2048x1xf32>
      %eq3A_40 = vector.broadcast %broadcast_in_dim3A_39 : vector<2048x1xf32> to vector<2048x8xf32>
      %eq3A_41 = arith.cmpf oeq, %select_n3A_36, %eq3A_40 : vector<2048x8xf32>
      %jit3A_42 = arith.constant 8 : i32
      %broadcast_in_dim3A_43 = vector.broadcast %jit3A_42 : i32 to vector<2048x8xi32>
      %select_n3A_44 = arith.select %eq3A_41, %iota3A, %broadcast_in_dim3A_43 : vector<2048x8xi1>, vector<2048x8xi32>
      %reduce_min3A_45 = arith.constant dense<2147483647> : vector<2048xi32>
      %reduce_min3A_46 = vector.multi_reduction <minsi>, %select_n3A_44, %reduce_min3A_45 [1] : vector<2048x8xi32> to vector<2048xi32>
      %broadcast_in_dim3A_47 = vector.shape_cast %reduce_min3A_46 : vector<2048xi32> to vector<2048x1xi32>
      %sub3A = arith.subf %broadcast_in_dim3A_39, %broadcast_in_dim3A_26 : vector<2048x1xf32>
      %exp3A = math.exp %sub3A : vector<2048x1xf32>
      %add3A_48 = arith.constant 1.000000e+00 : f32
      %add3A_49 = vector.broadcast %add3A_48 : f32 to vector<2048x1xf32>
      %add3A_50 = arith.addf %add3A_49, %exp3A : vector<2048x1xf32>
      %div3A = arith.constant 1.000000e+00 : f32
      %div3A_51 = vector.broadcast %div3A : f32 to vector<2048x1xf32>
      %div3A_52 = arith.divf %div3A_51, %add3A_50 : vector<2048x1xf32>
      %swap3A_53 = arith.constant 0 : index
      %swap3A_54 = arith.constant 0 : index
      %swap3A_55 = vector.load %arg8[%swap3A_53, %swap3A_54] : memref<2048x1xf32, #tpu.memory_space<vmem>>, vector<2048x1xf32>
      tpu.vector_store %arg8[%swap3A_53, %swap3A_54], %div3A_52 {strides = array<i32>} : memref<2048x1xf32, #tpu.memory_space<vmem>>, vector<2048x1xf32>,
      %add3A_56 = arith.constant 1.000000e+00 : f32
      %add3A_57 = vector.broadcast %add3A_56 : f32 to vector<2048x1xf32>
      %add3A_58 = arith.addf %add3A_57, %exp3A : vector<2048x1xf32>
      %div3A_59 = arith.divf %exp3A, %add3A_58 : vector<2048x1xf32>
      %swap3A_60 = arith.constant 0 : index
      %swap3A_61 = arith.constant 0 : index
      %swap3A_62 = vector.load %arg9[%swap3A_60, %swap3A_61] : memref<2048x1xf32, #tpu.memory_space<vmem>>, vector<2048x1xf32>
      tpu.vector_store %arg9[%swap3A_60, %swap3A_61], %div3A_59 {strides = array<i32>} : memref<2048x1xf32, #tpu.memory_space<vmem>>, vector<2048x1xf32>,
      %eq3A_63 = vector.broadcast %broadcast_in_dim3A_31 : vector<2048x1xi32> to vector<2048x8xi32>
      %eq3A_64 = arith.cmpi eq, %iota3A, %eq3A_63 : vector<2048x8xi32>
      %convert_element_type3A_65 = arith.extui %eq3A_64 : vector<2048x8xi1> to vector<2048x8xi32>
      %convert_element_type3A_66 = arith.sitofp %convert_element_type3A_65 : vector<2048x8xi32> to vector<2048x8xf32>
      %eq3A_67 = vector.broadcast %broadcast_in_dim3A_47 : vector<2048x1xi32> to vector<2048x8xi32>
      %eq3A_68 = arith.cmpi eq, %iota3A, %eq3A_67 : vector<2048x8xi32>
      %convert_element_type3A_69 = arith.extui %eq3A_68 : vector<2048x8xi1> to vector<2048x8xi32>
      %convert_element_type3A_70 = arith.sitofp %convert_element_type3A_69 : vector<2048x8xi32> to vector<2048x8xf32>
      %iota3A_71 = tpu.iota {dimensions = array<i32: 0>} : vector<2048x2048xi32>
      %iota3A_72 = tpu.iota {dimensions = array<i32: 1>} : vector<2048x2048xi32>
      %ge3A = arith.cmpi sge, %iota3A_71, %iota3A_72 : vector<2048x2048xi32>
      %convert_element_type3A_73 = arith.extui %ge3A : vector<2048x2048xi1> to vector<2048x2048xi32>
      %convert_element_type3A_74 = arith.sitofp %convert_element_type3A_73 : vector<2048x2048xi32> to vector<2048x2048xf32>
      %dot_general3A_75 = arith.constant dense<0.000000e+00> : vector<2048x8xf32>
      %dot_general3A_76 = tpu.matmul %convert_element_type3A_74, %convert_element_type3A_66, %dot_general3A_75 {dimension_numbers = #tpu.dot_dimension_numbers<[1], [0], [0], [1], [0, 0, 1, 1], [], []>, transpose_lhs_hint = false} : vector<2048x2048xf32>, vector<2048x8xf32>, vector<2048x8xf32> -> vector<2048x8xf32>
      %dot_general3A_77 = arith.constant dense<0.000000e+00> : vector<2048x8xf32>
      %dot_general3A_78 = tpu.matmul %convert_element_type3A_74, %convert_element_type3A_70, %dot_general3A_77 {dimension_numbers = #tpu.dot_dimension_numbers<[1], [0], [0], [1], [0, 0, 1, 1], [], []>, transpose_lhs_hint = false} : vector<2048x2048xf32>, vector<2048x8xf32>, vector<2048x8xf32> -> vector<2048x8xf32>
      %slice3A = vector.extract_strided_slice %dot_general3A_76 {offsets = [2047, 0], sizes = [1, 8], strides = [1, 1]} : vector<2048x8xf32> to vector<1x8xf32>
      %slice3A_79 = vector.extract_strided_slice %dot_general3A_78 {offsets = [2047, 0], sizes = [1, 8], strides = [1, 1]} : vector<2048x8xf32> to vector<1x8xf32>
      %add3A_80 = arith.addf %slice3A, %slice3A_79 : vector<1x8xf32>
      %div3A_81 = arith.constant 2.560000e+02 : f32
      %div3A_82 = vector.broadcast %div3A_81 : f32 to vector<1x8xf32>
      %div3A_83 = arith.divf %add3A_80, %div3A_82 : vector<1x8xf32>
      %ceil3A = math.ceil %div3A_83 : vector<1x8xf32>
      %iota3A_84 = tpu.iota {dimensions = array<i32: 0>} : vector<8x8xi32>
      %iota3A_85 = tpu.iota {dimensions = array<i32: 1>} : vector<8x8xi32>
      %lt3A = arith.cmpi slt, %iota3A_84, %iota3A_85 : vector<8x8xi32>
      %convert_element_type3A_86 = arith.extui %lt3A : vector<8x8xi1> to vector<8x8xi32>
      %convert_element_type3A_87 = arith.sitofp %convert_element_type3A_86 : vector<8x8xi32> to vector<8x8xf32>
      %dot_general3A_88 = arith.constant dense<0.000000e+00> : vector<1x8xf32>
      %dot_general3A_89 = tpu.matmul %ceil3A, %convert_element_type3A_87, %dot_general3A_88 {dimension_numbers = #tpu.dot_dimension_numbers<[1], [0], [0], [1], [0, 0, 1, 1], [], []>, transpose_lhs_hint = false} : vector<1x8xf32>, vector<8x8xf32>, vector<1x8xf32> -> vector<1x8xf32>
      %mul3A = arith.mulf %dot_general3A_76, %convert_element_type3A_66 : vector<2048x8xf32>
      %reduce_sum3A_90 = arith.constant dense<0.000000e+00> : vector<2048xf32>
      %reduce_sum3A_91 = vector.multi_reduction <add>, %mul3A, %reduce_sum3A_90 [1] : vector<2048x8xf32> to vector<2048xf32>
      %broadcast_in_dim3A_92 = vector.shape_cast %reduce_sum3A_91 : vector<2048xf32> to vector<2048x1xf32>
      %sub3A_93 = arith.constant 1.000000e+00 : f32
      %sub3A_94 = vector.broadcast %sub3A_93 : f32 to vector<2048x1xf32>
      %sub3A_95 = arith.subf %broadcast_in_dim3A_92, %sub3A_94 : vector<2048x1xf32>
      %add3A_96 = vector.broadcast %slice3A : vector<1x8xf32> to vector<2048x8xf32>
      %add3A_97 = arith.addf %dot_general3A_78, %add3A_96 : vector<2048x8xf32>
      %mul3A_98 = arith.mulf %add3A_97, %convert_element_type3A_70 : vector<2048x8xf32>
      %reduce_sum3A_99 = arith.constant dense<0.000000e+00> : vector<2048xf32>
      %reduce_sum3A_100 = vector.multi_reduction <add>, %mul3A_98, %reduce_sum3A_99 [1] : vector<2048x8xf32> to vector<2048xf32>
      %broadcast_in_dim3A_101 = vector.shape_cast %reduce_sum3A_100 : vector<2048xf32> to vector<2048x1xf32>
      %sub3A_102 = arith.constant 1.000000e+00 : f32
      %sub3A_103 = vector.broadcast %sub3A_102 : f32 to vector<2048x1xf32>
      %sub3A_104 = arith.subf %broadcast_in_dim3A_101, %sub3A_103 : vector<2048x1xf32>
      %mul3A_105 = vector.broadcast %dot_general3A_89 : vector<1x8xf32> to vector<2048x8xf32>
      %mul3A_106 = arith.mulf %mul3A_105, %convert_element_type3A_66 : vector<2048x8xf32>
      %reduce_sum3A_107 = arith.constant dense<0.000000e+00> : vector<2048xf32>
      %reduce_sum3A_108 = vector.multi_reduction <add>, %mul3A_106, %reduce_sum3A_107 [1] : vector<2048x8xf32> to vector<2048xf32>
      %broadcast_in_dim3A_109 = vector.shape_cast %reduce_sum3A_108 : vector<2048xf32> to vector<2048x1xf32>
      %mul3A_110 = arith.constant 2.560000e+02 : f32
      %mul3A_111 = vector.broadcast %mul3A_110 : f32 to vector<2048x1xf32>
      %mul3A_112 = arith.mulf %broadcast_in_dim3A_109, %mul3A_111 : vector<2048x1xf32>
      %mul3A_113 = vector.broadcast %dot_general3A_89 : vector<1x8xf32> to vector<2048x8xf32>
      %mul3A_114 = arith.mulf %mul3A_113, %convert_element_type3A_70 : vector<2048x8xf32>
      %reduce_sum3A_115 = arith.constant dense<0.000000e+00> : vector<2048xf32>
      %reduce_sum3A_116 = vector.multi_reduction <add>, %mul3A_114, %reduce_sum3A_115 [1] : vector<2048x8xf32> to vector<2048xf32>
      %broadcast_in_dim3A_117 = vector.shape_cast %reduce_sum3A_116 : vector<2048xf32> to vector<2048x1xf32>
      %mul3A_118 = arith.constant 2.560000e+02 : f32
      %mul3A_119 = vector.broadcast %mul3A_118 : f32 to vector<2048x1xf32>
      %mul3A_120 = arith.mulf %broadcast_in_dim3A_117, %mul3A_119 : vector<2048x1xf32>
      %add3A_121 = arith.addf %mul3A_112, %sub3A_95 : vector<2048x1xf32>
      %convert_element_type3A_122 = arith.fptosi %add3A_121 : vector<2048x1xf32> to vector<2048x1xi32>
      %swap3A_123 = arith.constant 0 : index
      %swap3A_124 = arith.constant 0 : index
      %swap3A_125 = vector.load %arg6[%swap3A_123, %swap3A_124] : memref<2048x1xi32, #tpu.memory_space<vmem>>, vector<2048x1xi32>
      tpu.vector_store %arg6[%swap3A_123, %swap3A_124], %convert_element_type3A_122 {strides = array<i32>} : memref<2048x1xi32, #tpu.memory_space<vmem>>, vector<2048x1xi32>,
      %add3A_126 = arith.addf %mul3A_120, %sub3A_104 : vector<2048x1xf32>
      %convert_element_type3A_127 = arith.fptosi %add3A_126 : vector<2048x1xf32> to vector<2048x1xi32>
      %swap3A_128 = arith.constant 0 : index
      %swap3A_129 = arith.constant 0 : index
      %swap3A_130 = vector.load %arg7[%swap3A_128, %swap3A_129] : memref<2048x1xi32, #tpu.memory_space<vmem>>, vector<2048x1xi32>
      tpu.vector_store %arg7[%swap3A_128, %swap3A_129], %convert_element_type3A_127 {strides = array<i32>} : memref<2048x1xi32, #tpu.memory_space<vmem>>, vector<2048x1xi32>,
      %eq3A_131 = arith.cmpi eq, %iota3A_84, %iota3A_85 : vector<8x8xi32>
      %convert_element_type3A_132 = arith.extui %eq3A_131 : vector<8x8xi1> to vector<8x8xi32>
      %convert_element_type3A_133 = arith.sitofp %convert_element_type3A_132 : vector<8x8xi32> to vector<8x8xf32>
      %broadcast_in_dim3A_134 = vector.shape_cast %dot_general3A_89 : vector<1x8xf32> to vector<1x8xf32>
      %broadcast_in_dim3A_135 = vector.broadcast %broadcast_in_dim3A_134 : vector<1x8xf32> to vector<8x8xf32>
      %mul3A_136 = arith.mulf %broadcast_in_dim3A_135, %convert_element_type3A_133 : vector<8x8xf32>
      %reduce_sum3A_137 = arith.constant dense<0.000000e+00> : vector<8xf32>
      %reduce_sum3A_138 = vector.multi_reduction <add>, %mul3A_136, %reduce_sum3A_137 [1] : vector<8x8xf32> to vector<8xf32>
      %broadcast_in_dim3A_139 = vector.shape_cast %reduce_sum3A_138 : vector<8xf32> to vector<8x1xf32>
      %broadcast_in_dim3A_140 = vector.shape_cast %ceil3A : vector<1x8xf32> to vector<1x8xf32>
      %broadcast_in_dim3A_141 = vector.broadcast %broadcast_in_dim3A_140 : vector<1x8xf32> to vector<8x8xf32>
      %mul3A_142 = arith.mulf %broadcast_in_dim3A_141, %convert_element_type3A_133 : vector<8x8xf32>
      %reduce_sum3A_143 = arith.constant dense<0.000000e+00> : vector<8xf32>
      %reduce_sum3A_144 = vector.multi_reduction <add>, %mul3A_142, %reduce_sum3A_143 [1] : vector<8x8xf32> to vector<8xf32>
      %broadcast_in_dim3A_145 = vector.shape_cast %reduce_sum3A_144 : vector<8xf32> to vector<8x1xf32>
      %iota3A_146 = tpu.iota {dimensions = array<i32: 1>} : vector<8x128xi32>
      %convert_element_type3A_147 = arith.sitofp %iota3A_146 : vector<8x128xi32> to vector<8x128xf32>
      %ge3A_148 = vector.broadcast %broadcast_in_dim3A_139 : vector<8x1xf32> to vector<8x128xf32>
      %ge3A_149 = arith.cmpf oge, %convert_element_type3A_147, %ge3A_148 : vector<8x128xf32>
      %add3A_150 = arith.addf %broadcast_in_dim3A_139, %broadcast_in_dim3A_145 : vector<8x1xf32>
      %lt3A_151 = vector.broadcast %add3A_150 : vector<8x1xf32> to vector<8x128xf32>
      %lt3A_152 = arith.cmpf olt, %convert_element_type3A_147, %lt3A_151 : vector<8x128xf32>
      %and3A_153 = arith.andi %ge3A_149, %lt3A_152 : vector<8x128xi1>
      %convert_element_type3A_154 = arith.extui %and3A_153 : vector<8x128xi1> to vector<8x128xi32>
      %convert_element_type3A_155 = arith.sitofp %convert_element_type3A_154 : vector<8x128xi32> to vector<8x128xf32>
      %iota3A_156 = tpu.iota {dimensions = array<i32: 0>} : vector<8x128xi32>
      %convert_element_type3A_157 = arith.sitofp %iota3A_156 : vector<8x128xi32> to vector<8x128xf32>
      %mul3A_158 = arith.mulf %convert_element_type3A_155, %convert_element_type3A_157 : vector<8x128xf32>
      %reduce_sum3A_159 = arith.constant dense<0.000000e+00> : vector<128xf32>
      %reduce_sum3A_160 = vector.multi_reduction <add>, %mul3A_158, %reduce_sum3A_159 [0] : vector<8x128xf32> to vector<128xf32>
      %broadcast_in_dim3A_161 = vector.shape_cast %reduce_sum3A_160 : vector<128xf32> to vector<1x128xf32>
      %reduce_sum3A_162 = arith.constant dense<0.000000e+00> : vector<128xf32>
      %reduce_sum3A_163 = vector.multi_reduction <add>, %convert_element_type3A_155, %reduce_sum3A_162 [0] : vector<8x128xf32> to vector<128xf32>
      %broadcast_in_dim3A_164 = vector.shape_cast %reduce_sum3A_163 : vector<128xf32> to vector<1x128xf32>
      %gt3A = arith.constant 0.000000e+00 : f32
      %gt3A_165 = vector.broadcast %gt3A : f32 to vector<1x128xf32>
      %gt3A_166 = arith.cmpf ogt, %broadcast_in_dim3A_164, %gt3A_165 : vector<1x128xf32>
      %jit3A_167 = arith.constant -1.000000e+00 : f32
      %broadcast_in_dim3A_168 = vector.broadcast %jit3A_167 : f32 to vector<1x128xf32>
      %select_n3A_169 = arith.select %gt3A_166, %broadcast_in_dim3A_161, %broadcast_in_dim3A_168 : vector<1x128xi1>, vector<1x128xf32>
      %convert_element_type3A_170 = arith.fptosi %select_n3A_169 : vector<1x128xf32> to vector<1x128xi32>
      %swap3A_171 = arith.constant 0 : index
      %swap3A_172 = arith.constant 0 : index
      %swap3A_173 = vector.load %arg10[%swap3A_171, %swap3A_172] : memref<1x128xi32, #tpu.memory_space<vmem>>, vector<1x128xi32>
      tpu.vector_store %arg10[%swap3A_171, %swap3A_172], %convert_element_type3A_170 {strides = array<i32>} : memref<1x128xi32, #tpu.memory_space<vmem>>, vector<1x128xi32>,
    } else {
    }
    %get3A = arith.constant 0 : index
    %get3A_4 = arith.constant 0 : index
    %get3A_5 = arith.constant 0 : index
    %get3A_6 = vector.load %arg5[%get3A, %get3A_4, %get3A_5] : memref<1x1024x1024xf32, #tpu.memory_space<vmem>>, vector<1x1024x1024xf32>
    %get3A_7 = vector.shape_cast %get3A_6 : vector<1x1024x1024xf32> to vector<1024x1024xf32>
    %reduce_sum3A = arith.constant dense<0.000000e+00> : vector<1024xf32>
    %reduce_sum3A_8 = vector.multi_reduction <add>, %get3A_7, %reduce_sum3A [1] : vector<1024x1024xf32> to vector<1024xf32>
    %broadcast_in_dim3A = vector.shape_cast %reduce_sum3A_8 : vector<1024xf32> to vector<1024x1xf32>
    %swap3A = arith.constant 0 : index
    %swap3A_9 = arith.constant 0 : index
    %swap3A_10 = arith.constant 0 : index
    %swap3A_11 = vector.load %arg11[%swap3A, %swap3A_9, %swap3A_10] : memref<1x1024x1xf32, #tpu.memory_space<vmem>>, vector<1x1024x1xf32>
    %swap3A_12 = vector.shape_cast %swap3A_11 : vector<1x1024x1xf32> to vector<1024x1xf32>
    %swap3A_13 = vector.shape_cast %broadcast_in_dim3A : vector<1024x1xf32> to vector<1x1024x1xf32>
    tpu.vector_store %arg11[%swap3A, %swap3A_9, %swap3A_10], %swap3A_13 {strides = array<i32>} : memref<1x1024x1xf32, #tpu.memory_space<vmem>>, vector<1x1024x1xf32>,
    return
  }
  func.func @transform_0(%arg0: i32, %arg1: i32) -> (i32, i32) {
    %c0_i32 = arith.constant 0 : i32
    %c0_i32_0 = arith.constant 0 : i32
    %c0_i32_1 = arith.constant 0 : i32
    return %c0_i32, %c0_i32_0 : i32, i32
  }
  func.func @transform_1(%arg0: i32, %arg1: i32) -> (i32, i32) {
    %c0_i32 = arith.constant 0 : i32
    %c0_i32_0 = arith.constant 0 : i32
    %c0_i32_1 = arith.constant 0 : i32
    return %c0_i32, %c0_i32_0 : i32, i32
  }
  func.func @transform_2(%arg0: i32, %arg1: i32) -> (i32, i32) {
    %c0_i32 = arith.constant 0 : i32
    %c0_i32_0 = arith.constant 0 : i32
    %c0_i32_1 = arith.constant 0 : i32
    return %c0_i32, %c0_i32_0 : i32, i32
  }
  func.func @transform_3(%arg0: i32, %arg1: i32) -> (i32, i32, i32) {
    %c0_i32 = arith.constant 0 : i32
    %c0_i32_0 = arith.constant 0 : i32
    return %arg0, %arg1, %c0_i32 : i32, i32, i32
  }
  func.func @transform_4(%arg0: i32, %arg1: i32) -> (i32, i32) {
    %c0_i32 = arith.constant 0 : i32
    %c0_i32_0 = arith.constant 0 : i32
    %c0_i32_1 = arith.constant 0 : i32
    return %c0_i32, %c0_i32_0 : i32, i32
  }
  func.func @transform_5(%arg0: i32, %arg1: i32) -> (i32, i32) {
    %c0_i32 = arith.constant 0 : i32
    %c0_i32_0 = arith.constant 0 : i32
    %c0_i32_1 = arith.constant 0 : i32
    return %c0_i32, %c0_i32_0 : i32, i32
  }
  func.func @transform_6(%arg0: i32, %arg1: i32) -> (i32, i32) {
    %c0_i32 = arith.constant 0 : i32
    %c0_i32_0 = arith.constant 0 : i32
    %c0_i32_1 = arith.constant 0 : i32
    return %c0_i32, %c0_i32_0 : i32, i32
  }
  func.func @transform_7(%arg0: i32, %arg1: i32) -> (i32, i32) {
    %c0_i32 = arith.constant 0 : i32
    %c0_i32_0 = arith.constant 0 : i32
    %c0_i32_1 = arith.constant 0 : i32
    return %c0_i32, %c0_i32_0 : i32, i32
  }
  func.func @transform_8(%arg0: i32, %arg1: i32) -> (i32, i32) {
    %c0_i32 = arith.constant 0 : i32
    %c0_i32_0 = arith.constant 0 : i32
    %c0_i32_1 = arith.constant 0 : i32
    return %c0_i32, %c0_i32_0 : i32, i32
  }
  func.func @transform_9(%arg0: i32, %arg1: i32) -> (i32, i32, i32) {
    %c0_i32 = arith.constant 0 : i32
    %c0_i32_0 = arith.constant 0 : i32
    return %arg0, %arg1, %c0_i32 : i32, i32, i32
  }
}

module attributes {stable_mosaic.version = 14 : i64} {
  func.func @_gemm_kernel(%arg0: i32, %arg1: i32, %arg2: memref<24xi32, #tpu.memory_space<smem>>, %arg3: memref<256x1024xf32, #tpu.memory_space<vmem>>, %arg4: memref<1x1024x1024xf32, #tpu.memory_space<vmem>>, %arg5: memref<1x1x1024xf32, #tpu.memory_space<vmem>>, %arg6: memref<1x1024x1xf32, #tpu.memory_space<vmem>>, %arg7: memref<1x1x1024xf32, #tpu.memory_space<vmem>>, %arg8: memref<256x1xf32, #tpu.memory_space<vmem>>) attributes {dimension_semantics = [#tpu.dimension_semantics<arbitrary>, #tpu.dimension_semantics<arbitrary>], iteration_bounds = array<i64: 24, 4>, scalar_prefetch = 1 : i64, scratch_operands = 0 : i64, tpu.core_type = #tpu.core_type<tc>, window_params = [{transform_indices = @transform_0, window_bounds = array<i64: 256, 1024>}, {transform_indices = @transform_1, window_bounds = array<i64: 1, 1024, 1024>}, {transform_indices = @transform_2, window_bounds = array<i64: 1, 1, 1024>}, {transform_indices = @transform_3, window_bounds = array<i64: 1, 1024, 1>}, {transform_indices = @transform_4, window_bounds = array<i64: 1, 1, 1024>}, {transform_indices = @transform_5, window_bounds = array<i64: 256, 1>}]} {
    %get3A = arith.index_cast %arg0 : i32 to index
    %get3A_0 = memref.load %arg2[%get3A] : memref<24xi32, #tpu.memory_space<smem>>
    %eq3A = arith.constant 0 : i32
    %eq3A_1 = arith.cmpi eq, %arg1, %eq3A : i32
    %convert_element_type3A = arith.extui %eq3A_1 : i1 to i32
    %cond3A = arith.constant 0 : i32
    %cond3A_2 = arith.cmpi ne, %convert_element_type3A, %cond3A : i32
    scf.if %cond3A_2 {
      %get3A_7 = arith.constant 0 : index
      %get3A_8 = arith.constant 0 : index
      %get3A_9 = arith.constant 0 : index
      %get3A_10 = vector.load %arg7[%get3A_7, %get3A_8, %get3A_9] : memref<1x1x1024xf32, #tpu.memory_space<vmem>>, vector<1x1x1024xf32>
      %reduce_sum3A = vector.shape_cast %get3A_10 : vector<1x1x1024xf32> to vector<1x1x1x1024xf32>
      %reduce_sum3A_11 = arith.constant dense<0.000000e+00> : vector<1xf32>
      %reduce_sum3A_12 = vector.multi_reduction <add>, %reduce_sum3A, %reduce_sum3A_11 [1, 2, 3] : vector<1x1x1x1024xf32> to vector<1xf32>
      %reduce_sum3A_13 = vector.shape_cast %reduce_sum3A_12 : vector<1xf32> to vector<1x1x1x1xf32>
      %reduce_sum3A_14 = vector.extract %reduce_sum3A_13[0, 0, 0, 0] : f32 from vector<1x1x1x1xf32>
      %broadcast_in_dim3A = vector.broadcast %reduce_sum3A_14 : f32 to vector<256x1xf32>
      %swap3A = arith.constant 0 : index
      %swap3A_15 = arith.constant 0 : index
      %swap3A_16 = vector.load %arg8[%swap3A, %swap3A_15] : memref<256x1xf32, #tpu.memory_space<vmem>>, vector<256x1xf32>
      tpu.vector_store %arg8[%swap3A, %swap3A_15], %broadcast_in_dim3A {strides = array<i32>} : memref<256x1xf32, #tpu.memory_space<vmem>>, vector<256x1xf32>,
    } else {
    }
    %ge3A = arith.constant 0 : i32
    %ge3A_3 = arith.cmpi sge, %get3A_0, %ge3A : i32
    %convert_element_type3A_4 = arith.extui %ge3A_3 : i1 to i32
    %cond3A_5 = arith.constant 0 : i32
    %cond3A_6 = arith.cmpi ne, %convert_element_type3A_4, %cond3A_5 : i32
    scf.if %cond3A_6 {
      %get3A_7 = arith.constant 0 : index
      %get3A_8 = arith.constant 0 : index
      %get3A_9 = vector.load %arg3[%get3A_7, %get3A_8] : memref<256x1024xf32, #tpu.memory_space<vmem>>, vector<256x1024xf32>
      %get3A_10 = arith.constant 0 : index
      %get3A_11 = arith.constant 0 : index
      %get3A_12 = arith.constant 0 : index
      %get3A_13 = vector.load %arg4[%get3A_10, %get3A_11, %get3A_12] : memref<1x1024x1024xf32, #tpu.memory_space<vmem>>, vector<1x1024x1024xf32>
      %get3A_14 = vector.shape_cast %get3A_13 : vector<1x1024x1024xf32> to vector<1024x1024xf32>
      %dot_general3A = arith.constant dense<0.000000e+00> : vector<256x1024xf32>
      %dot_general3A_15 = tpu.matmul %get3A_9, %get3A_14, %dot_general3A {dimension_numbers = #tpu.dot_dimension_numbers<[1], [0], [0], [1], [0, 0, 1, 1], [], []>, transpose_lhs_hint = false} : vector<256x1024xf32>, vector<1024x1024xf32>, vector<256x1024xf32> -> vector<256x1024xf32>
      %get3A_16 = arith.constant 0 : index
      %get3A_17 = arith.constant 0 : index
      %get3A_18 = arith.constant 0 : index
      %get3A_19 = vector.load %arg5[%get3A_16, %get3A_17, %get3A_18] : memref<1x1x1024xf32, #tpu.memory_space<vmem>>, vector<1x1x1024xf32>
      %get3A_20 = vector.shape_cast %get3A_19 : vector<1x1x1024xf32> to vector<1x1024xf32>
      %add3A = vector.broadcast %get3A_20 : vector<1x1024xf32> to vector<256x1024xf32>
      %add3A_21 = arith.addf %dot_general3A_15, %add3A : vector<256x1024xf32>
      %integer_pow3A = arith.mulf %add3A_21, %add3A_21 : vector<256x1024xf32>
      %integer_pow3A_22 = arith.mulf %add3A_21, %integer_pow3A : vector<256x1024xf32>
      %mul3A = arith.constant 4.471500e-02 : f32
      %mul3A_23 = vector.broadcast %mul3A : f32 to vector<256x1024xf32>
      %mul3A_24 = arith.mulf %mul3A_23, %integer_pow3A_22 : vector<256x1024xf32>
      %add3A_25 = arith.addf %add3A_21, %mul3A_24 : vector<256x1024xf32>
      %mul3A_26 = arith.constant 0.797884583 : f32
      %mul3A_27 = vector.broadcast %mul3A_26 : f32 to vector<256x1024xf32>
      %mul3A_28 = arith.mulf %mul3A_27, %add3A_25 : vector<256x1024xf32>
      %tanh3A = math.tanh %mul3A_28 : vector<256x1024xf32>
      %add3A_29 = arith.constant 1.000000e+00 : f32
      %add3A_30 = vector.broadcast %add3A_29 : f32 to vector<256x1024xf32>
      %add3A_31 = arith.addf %add3A_30, %tanh3A : vector<256x1024xf32>
      %mul3A_32 = arith.constant 5.000000e-01 : f32
      %mul3A_33 = vector.broadcast %mul3A_32 : f32 to vector<256x1024xf32>
      %mul3A_34 = arith.mulf %mul3A_33, %add3A_31 : vector<256x1024xf32>
      %mul3A_35 = arith.mulf %add3A_21, %mul3A_34 : vector<256x1024xf32>
      %get3A_36 = arith.constant 0 : index
      %get3A_37 = arith.constant 0 : index
      %get3A_38 = vector.load %arg8[%get3A_36, %get3A_37] : memref<256x1xf32, #tpu.memory_space<vmem>>, vector<256x1xf32>
      %get3A_39 = arith.constant 0 : index
      %get3A_40 = arith.constant 0 : index
      %get3A_41 = arith.constant 0 : index
      %get3A_42 = vector.load %arg6[%get3A_39, %get3A_40, %get3A_41] : memref<1x1024x1xf32, #tpu.memory_space<vmem>>, vector<1x1024x1xf32>
      %get3A_43 = vector.shape_cast %get3A_42 : vector<1x1024x1xf32> to vector<1024x1xf32>
      %dot_general3A_44 = arith.constant dense<0.000000e+00> : vector<256x1xf32>
      %dot_general3A_45 = tpu.matmul %mul3A_35, %get3A_43, %dot_general3A_44 {dimension_numbers = #tpu.dot_dimension_numbers<[1], [0], [0], [1], [0, 0, 1, 1], [], []>, transpose_lhs_hint = false} : vector<256x1024xf32>, vector<1024x1xf32>, vector<256x1xf32> -> vector<256x1xf32>
      %add3A_46 = arith.addf %get3A_38, %dot_general3A_45 : vector<256x1xf32>
      %swap3A = arith.constant 0 : index
      %swap3A_47 = arith.constant 0 : index
      %swap3A_48 = vector.load %arg8[%swap3A, %swap3A_47] : memref<256x1xf32, #tpu.memory_space<vmem>>, vector<256x1xf32>
      tpu.vector_store %arg8[%swap3A, %swap3A_47], %add3A_46 {strides = array<i32>} : memref<256x1xf32, #tpu.memory_space<vmem>>, vector<256x1xf32>,
    } else {
    }
    return
  }
  func.func @transform_0(%arg0: i32, %arg1: i32, %arg2: memref<24xi32, #tpu.memory_space<smem>>) -> (i32, i32) {
    %c0_i32 = arith.constant 0 : i32
    %c0_i32_0 = arith.constant 0 : i32
    return %arg0, %c0_i32 : i32, i32
  }
  func.func @transform_1(%arg0: i32, %arg1: i32, %arg2: memref<24xi32, #tpu.memory_space<smem>>) -> (i32, i32, i32) {
    %get3A = arith.index_cast %arg0 : i32 to index
    %get3A_0 = memref.load %arg2[%get3A] : memref<24xi32, #tpu.memory_space<smem>>
    %max3A = arith.constant 0 : i32
    %max3A_1 = arith.maxsi %get3A_0, %max3A : i32
    %c0_i32 = arith.constant 0 : i32
    %c0_i32_2 = arith.constant 0 : i32
    return %max3A_1, %c0_i32, %arg1 : i32, i32, i32
  }
  func.func @transform_2(%arg0: i32, %arg1: i32, %arg2: memref<24xi32, #tpu.memory_space<smem>>) -> (i32, i32, i32) {
    %get3A = arith.index_cast %arg0 : i32 to index
    %get3A_0 = memref.load %arg2[%get3A] : memref<24xi32, #tpu.memory_space<smem>>
    %max3A = arith.constant 0 : i32
    %max3A_1 = arith.maxsi %get3A_0, %max3A : i32
    %c0_i32 = arith.constant 0 : i32
    %c0_i32_2 = arith.constant 0 : i32
    return %max3A_1, %c0_i32, %arg1 : i32, i32, i32
  }
  func.func @transform_3(%arg0: i32, %arg1: i32, %arg2: memref<24xi32, #tpu.memory_space<smem>>) -> (i32, i32, i32) {
    %get3A = arith.index_cast %arg0 : i32 to index
    %get3A_0 = memref.load %arg2[%get3A] : memref<24xi32, #tpu.memory_space<smem>>
    %max3A = arith.constant 0 : i32
    %max3A_1 = arith.maxsi %get3A_0, %max3A : i32
    %c0_i32 = arith.constant 0 : i32
    %c0_i32_2 = arith.constant 0 : i32
    return %max3A_1, %arg1, %c0_i32 : i32, i32, i32
  }
  func.func @transform_4(%arg0: i32, %arg1: i32, %arg2: memref<24xi32, #tpu.memory_space<smem>>) -> (i32, i32, i32) {
    %get3A = arith.index_cast %arg0 : i32 to index
    %get3A_0 = memref.load %arg2[%get3A] : memref<24xi32, #tpu.memory_space<smem>>
    %max3A = arith.constant 0 : i32
    %max3A_1 = arith.maxsi %get3A_0, %max3A : i32
    %c0_i32 = arith.constant 0 : i32
    %c0_i32_2 = arith.constant 0 : i32
    %c0_i32_3 = arith.constant 0 : i32
    return %max3A_1, %c0_i32, %c0_i32_2 : i32, i32, i32
  }
  func.func @transform_5(%arg0: i32, %arg1: i32, %arg2: memref<24xi32, #tpu.memory_space<smem>>) -> (i32, i32) {
    %c0_i32 = arith.constant 0 : i32
    %c0_i32_0 = arith.constant 0 : i32
    return %arg0, %c0_i32 : i32, i32
  }
}

</mosaic_0001>

<sc_bundles>
// kernel: kernel.5.cloned.1.call-start
scs
__scs_entry_jumppad:
0x0: {  	(pc) =	sbr.rel $0x88, $3  }
0x1: {  	(tag) =	ssettag $0x0;
	lr =	simm.s32 $0x1  }
0x2: {  	[smem:$0x3F9A] =	sst lr;
	_ =	strace $0xD0000000  }
0x3: {  	_ = 	snop  }
0x4: {  	_ = 	snop  }
0x5: {  	_ = 	snop  }
0x6: {  	_ = 	snop  }
0x7: {  	_ = 	snop  }
__scs_overlays_trampoline_lowered:
0x8: {  	[smem:$0x3FA9] =	sst s0  }
0x9: {  	[smem:$0x3FAA] =	sst s1  }
0xa: {  	[smem:$0x3FAB] =	sst s2  }
0xb: {  	[smem:$0x3FAC] =	sst s3  }
0xc: {  	[smem:$0x3FAD] =	sst s4  }
0xd: {  	[smem:$0x3FAE] =	sst s5  }
0xe: {  	[smem:$0x3FAF] =	sst s6  }
0xf: {  	[smem:$0x3FB0] =	sst s7  }
0x10: {  	[smem:$0x3FB1] =	sst s8  }
0x11: {  	[smem:$0x3FB2] =	sst s9;
	s0 =	simm.s32 @!p0 $0x0  }
0x12: {  	s1 =	sld [smem:$0x3F98];
	s0 =	simm.s32 @p0 $0x1  }
0x13: {  	[smem:$0x3FB3] =	sst s0;
	s0 =	simm.s32 @!p1 $0x0  }
0x14: {  	s2 =	sld [smem:$0x3F97];
	s0 =	simm.s32 @p1 $0x1  }
0x15: {  	[smem:$0x3FB4] =	sst s0;
	s0 =	simm.s32 @!p2 $0x0  }
0x16: {  	s3 =	sld [smem:$0x3FDB];
	s0 =	simm.s32 @p2 $0x1  }
0x17: {  	s4 =	simm.s32 $0x1BF5;
	[smem:$0x3FB6] =	sst s0  }
0x18: {  	s0 =	sld [smem:$0x3F99];
	_ =	swait.ge [sflag:s4], $0x0  }
0x19: {  	s7 =	sld [smem:$0x3F9A]  }
0x1a: {  	s8 =	sadd.s32 $0xFFFFE003, lr  }
0x1b: {  	s9 =	sadd.s32 $0xFFFFFEF7, lr;
	s5 =	simm.s32 $0xFFFFFFFF;
	p2 =	slt.u32 s8, $0xFFFFF086  }
0x1c: {  	p1 =	slt.u32 s9, $0xF7A;
	s5 =	simm.s32 @!p2 $0x0  }
0x1d: {  	s5 =	simm.s32 @p1 $0x1;
	p0 =	seq.s32 s7, s2  }
0x1e: {  	s7 =	smul.u32 @!p0 $0xF7A, s2;
	p2 =	seq.s32 @!p0 s5, $0x0  }
0x1f: {  	s9 =	smul.u32 $0xF7A, s1;
	s8 =	simm.s32 @!p0 $0x1BF5;
	p2 =	por !p2, p0  }
0x20: {  	[sflag:s8] =	ssyncset.s32 @!p0 $0xFFFFF086;
	s6 =	sadd.s32 @!p0 s3, s7;
	s7 =	simm.s32 @!p0 $0x108  }
0x21: {  	s3 =	sadd.s32 s3, s9;
	s6 =	sadd.s32 @!p0 $0x88, s6;
	s7 =	simm.s32 @p2 $0x1082  }
0x22: {  	[simem:s7], [sflag:s8] =	dma.local @!p0 [hbm:s6], $0xF7A  }
0x23: {  	s9 =	sor.u32 $0xD0000000, s2;
	s6 =	simm.s32 $0x108;
	_ =	swait.ge @!p0 [sflag:s8], $0x0  }
0x24: {  	s3 =	sadd.s32 $0x88, s3;
	s6 =	simm.s32 @!p1 $0x1082;
	[sflag:s4] =	ssyncset.s32 $0xFFFFF086  }
0x25: {  	[simem:s6], [sflag:s4] =	dma.local [hbm:s3], $0xF7A  }
0x26: {  	[smem:$0x3F9A] =	sst s1;
	(tag) =	ssettag s2;
	_ =	strace s9  }
0x27: {  	s1 =	sld [smem:$0x3FAA]  }
0x28: {  	s2 =	sld [smem:$0x3FAB]  }
0x29: {  	s4 =	sld [smem:$0x3FAD]  }
0x2a: {  	p0 =	seq.s32 s5, $0x0;
	s5 =	sld [smem:$0x3FAE]  }
0x2b: {  	s6 =	sld [smem:$0x3FAF]  }
0x2c: {  	s7 =	sld [smem:$0x3FB0]  }
0x2d: {  	s3 =	simm.s32 $0x108;
	s8 =	sld [smem:$0x3FB1]  }
0x2e: {  	s3 =	simm.s32 @!p0 $0x1082;
	s9 =	sld [smem:$0x3FB2]  }
0x2f: {  	lr =	sadd.s32 s0, s3;
	s0 =	sld [smem:$0x3FA9]  }
0x30: {  	s3 =	sld [smem:$0x3FAC]  }
0x31: {  	[smem:$0x3FB5] =	sst s10  }
0x32: {  	s10 =	sld [smem:$0x3FB3];
	_ =	sdelay $0x3  }
0x33: {  	p0 =	seq.s32 s10, $0x1;
	s10 =	sld [smem:$0x3FB5];
	_ =	sdelay $0x3  }
0x34: {  	[smem:$0x3FB5] =	sst s10  }
0x35: {  	s10 =	sld [smem:$0x3FB4];
	_ =	sdelay $0x3  }
0x36: {  	p1 =	seq.s32 s10, $0x1;
	s10 =	sld [smem:$0x3FB5];
	_ =	sdelay $0x3  }
0x37: {  	[smem:$0x3FB5] =	sst s10  }
0x38: {  	s10 =	sld [smem:$0x3FB6]  }
0x39: {  	_ = 	snop;
	(pc) =	sbr.ind lr, $3  }
0x3a: {  	_ = 	snop  }
0x3b: {  	_ = 	snop  }
0x3c: {  	p2 =	seq.s32 s10, $0x1;
	s10 =	sld [smem:$0x3FB5]  }
0x3d: {  	_ =	shalt  }
0x3e: {  	_ =	shalt  }
0x3f: {  	_ =	shalt  }
0x40: {  	_ =	shalt  }
0x41: {  	_ =	shalt  }
0x42: {  	_ =	shalt  }
0x43: {  	_ =	shalt  }
0x44: {  	_ =	shalt  }
0x45: {  	_ =	shalt  }
0x46: {  	_ =	shalt  }
0x47: {  	_ =	shalt  }
0x48: {  	_ =	shalt  }
0x49: {  	_ =	shalt  }
0x4a: {  	_ =	shalt  }
0x4b: {  	_ =	shalt  }
0x4c: {  	_ =	shalt  }
0x4d: {  	_ =	shalt  }
0x4e: {  	_ =	shalt  }
0x4f: {  	_ =	shalt  }
0x50: {  	_ =	shalt  }
0x51: {  	_ =	shalt  }
0x52: {  	_ =	shalt  }
0x53: {  	_ =	shalt  }
0x54: {  	_ =	shalt  }
0x55: {  	_ =	shalt  }
0x56: {  	_ =	shalt  }
0x57: {  	_ =	shalt  }
0x58: {  	_ =	shalt  }
0x59: {  	_ =	shalt  }
0x5a: {  	_ =	shalt  }
0x5b: {  	_ =	shalt  }
0x5c: {  	_ =	shalt  }
0x5d: {  	_ =	shalt  }
0x5e: {  	_ =	shalt  }
0x5f: {  	_ =	shalt  }
0x60: {  	_ =	shalt  }
0x61: {  	_ =	shalt  }
0x62: {  	_ =	shalt  }
0x63: {  	_ =	shalt  }
0x64: {  	_ =	shalt  }
0x65: {  	_ =	shalt  }
0x66: {  	_ =	shalt  }
0x67: {  	_ =	shalt  }
0x68: {  	_ =	shalt  }
0x69: {  	_ =	shalt  }
0x6a: {  	_ =	shalt  }
0x6b: {  	_ =	shalt  }
0x6c: {  	_ =	shalt  }
0x6d: {  	_ =	shalt  }
0x6e: {  	_ =	shalt  }
0x6f: {  	_ =	shalt  }
0x70: {  	_ =	shalt  }
0x71: {  	_ =	shalt  }
0x72: {  	_ =	shalt  }
0x73: {  	_ =	shalt  }
0x74: {  	_ =	shalt  }
0x75: {  	_ =	shalt  }
0x76: {  	_ =	shalt  }
0x77: {  	_ =	shalt  }
0x78: {  	_ =	shalt  }
0x79: {  	_ =	shalt  }
0x7a: {  	_ =	shalt  }
0x7b: {  	_ =	shalt  }
0x7c: {  	_ =	shalt  }
0x7d: {  	_ =	shalt  }
0x7e: {  	_ =	shalt  }
0x7f: {  	_ =	shalt  }
0x80: {  	_ =	shalt  }
0x81: {  	_ =	shalt  }
0x82: {  	_ =	shalt  }
0x83: {  	_ =	shalt  }
0x84: {  	_ =	shalt  }
0x85: {  	_ =	shalt  }
0x86: {  	_ =	shalt  }
0x87: {  	_ =	shalt  }
.Lfunc_end0:
.L_simem_size_0:
called_computation_lowered:
.L_overlay_start_0:
0x88: {  	s2 =	sld [smem:$0x3FD9]  }
0x89: {  	s3 =	sld [smem:$0x3FFE];
	_ =	sdelay $0x1  }
0x8a: {  	s1 =	srdreg.scid  }
0x8b: {  	s0 =	sand.u32 $0x1, s1  }
0x8c: {  	s17 =	sshll.u32 s0, $0xA;
	s2 =	sadd.s32 s3, s2  }
0x8d: {  	s2 =	sadd.s32 s2, s17  }
0x8e: {  	[smem:$0x3FC1] =	sst s2  }
0x8f: {  	_ = 	snop  }
0x90: {  	s2 =	sld [smem:$0x3FC9]  }
0x91: {  	s18 =	sld [smem:$0x3FD0];
	(tm) =	ssettm $0x1  }
0x92: {  	s4 =	sld [smem:$0x3FFB];
	_ =	sdelay $0x3  }
0x93: {  	_ =	strace s4  }
0x94: {  	s4 =	sld [smem:$0x3FFC];
	_ =	sdelay $0x3  }
0x95: {  	_ =	strace s4  }
0x96: {  	s4 =	sld [smem:$0x3FFD];
	_ =	sdelay $0x3  }
0x97: {  	_ =	strace s4  }
0x98: {  	_ =	strace $0x8FFFFFFF  }
0x99: {  	s19 =	sld [smem:$0x3FDB];
	_ =	sdelay $0x1  }
0x9a: {  	s5 =	simm.s32 $_scs_section_size  }
0x9b: {  	s6 =	simm.s32 $_size__tile_overlayer_lowered;
	s7 =	simm.s32 $_tile_overlayer_lowered  }
0x9c: {  	s22 =	simm.s32 $0x1BFF;
	s21 =	sshll.u32 s7, $0x1;
	s4 =	sadd.s32 s5, s19  }
0x9d: {  	s8 =	simm.s32 $0x0;
	s20 =	sshll.u32 s6, $0x1;
	s6 =	sadd.s32 s21, s4  }
0x9e: {  	[timem:s8], [sflag:s22] =	dma.local [hbm:s6], s20  }
0x9f: {  	_ =	swait.ge [sflag:s22], s20  }
0xa0: {  	s5 =	ssub.s32 $0x0, s20;
	[sflag:s22] =	ssyncset.done $0x0  }
0xa1: {  	[sflag:s22] =	ssyncadd.s32 s5;
	_ =	sdelay $0x1  }
0xa2: {  	s23 =	simm.s32 $0x1B8B  }
0xa3: {  	_ =	swait.ge [sflag:s23], $0x1  }
0xa4: {  	[sflag:s23] =	ssyncset.done $0x0  }
0xa5: {  	s25 =	simm.s32 $0x1B8E;
	s24 =	sld [smem:$0x3FFE];
	[sflag:s23] =	ssyncadd.s32 $0xFFFFFFFF  }
0xa6: {  	s26 =	simm.s32 $execute0_lowered;
	[smem:$0x3FD2] =	sst s25  }
0xa7: {  	s6 =	sshll.u32 s26, $0x1;
	_ =	strace $0x80000046;
	[dreg:$0x1] =	wrdreg $0xFFFFFFFF  }
0xa8: {  	s28 =	simm.s32 $_size_execute0_lowered;
	s4 =	sadd.s32 s4, s6;
	[dreg:$0x0] =	wrdreg $0x0  }
0xa9: {  	s6 =	sshll.u32 s28, $0x1;
	[dreg:$0x2] =	wrdreg s4  }
0xaa: {  	[dreg:$0x3] =	wrdreg s6  }
0xab: {  	[dreg:$0x4] =	wrdreg $0xC0  }
0xac: {  	_ =	task [dreg:s8], $0x5FFFF  }
0xad: {  	[dreg:$0x1] =	wrdreg $0xFFFFFFFF  }
0xae: {  	[dreg:$0x0] =	wrdreg $0x60  }
0xaf: {  	[dreg:$0x2] =	wrdreg s2  }
0xb0: {  	[dreg:$0x3] =	wrdreg s18  }
0xb1: {  	[dreg:$0x4] =	wrdreg s24  }
0xb2: {  	[dreg:$0x5] =	wrdreg $0x9  }
0xb3: {  	_ =	task.clear_ibuf [dreg:s8], $0x6FFFF;
	_ =	strace $0x90000046  }
0xb4: {  	s29 =	simm.s32 $0x9;
	_ =	strace $0x80000048  }
0xb5: {  	_ =	swait.ge [sflag:s29], $0x1  }
0xb6: {  	[sflag:s29] =	ssyncadd.s32 $0xFFFFFFFF  }
0xb7: {  	_ =	strace $0x90000048  }
0xb8: {  	_ =	sfence  }
0xb9: {  	s30 =	sld [smem:$0x0];
	_ =	sdelay $0x2  }
0xba: {  	s31 =	sshll.u32 s1, $0xD;
	s1 =	sshrl.u32 s1, $0x2  }
0xbb: {  	s3 =	sand.u32 $0x4000, s31;
	s1 =	sadd.s32 s1, s30  }
0xbc: {  	s0 =	sor.u32 s3, s0;
	s1 =	sshll.u32 s1, $0x11  }
0xbd: {  	s0 =	sor.u32 s1, s0  }
0xbe: {  	s0 =	sadd.s32 $0x8F2B, s0  }
0xbf: {  	[sflag:s0] =	ssyncadd.remote.s32 $0x1  }
0xc0: {  	_ =	sfence.sel $0xFFFF  }
0xc1: {  	[dreg:$0x0] =	wrdreg $0xFFFFFFFF;
	(pc) =	sbr.abs _section_cstart, $3  }
0xc2: {  	[dreg:$0x1] =	wrdreg $0xFFFFFFFF  }
0xc3: {  	_ =	task.clear_ibuf [dreg:s8], $0x2FFFF;
	_ =	strace $0x9FFFFFFF  }
0xc4: {  	(tm) =	ssettm $0x7FFFFFFF  }
0xc5: {  	_ =	shalt  }
tec
execute0_lowered:
.L_overlay_start_1:
0x0: {  	(tag) =	ssettag $0x1  }
0x1: {  	s0 =	rddreg [dreg:$0x0]  }
0x2: {  	s1 =	srdreg.scid;
	s4 =	rddreg [dreg:$0x1]  }
0x3: {  	s2 =	stileid.u32;
	s6 =	rddreg [dreg:$0x2];
	s26 =	simm.s32 $0x80  }
0x4: {  	s18 =	simm.s32 $0x1;
	s21 =	simm.s32 $0x1900;
	s22 =	simm.s32 $0x2100  }
0x5: {  	s23 =	simm.s32 $0x2900;
	s28 =	simm.s32 $0x4900;
	s29 =	simm.s32 $0x5100  }
0x6: {  	s30 =	simm.s32 $0x5900;
	s31 =	simm.s32 $0x6100;
	s10 =	simm.s32 $0x7900  }
0x7: {  	s11 =	simm.s32 $0x8100;
	s12 =	simm.s32 $0x8900;
	s13 =	simm.s32 $0x9100  }
0x8: {  	s14 =	simm.s32 $0x9900;
	s15 =	simm.s32 $0xA100;
	s16 =	simm.s32 $0xA900  }
0x9: {  	s1 =	sand.u32 $0x1, s1;
	s3 =	sshll.u32 s2, $0x7;
	s2 =	simm.s32 $0x0  }
0xa: {  	s17 =	simm.s32 $0xB100;
	s5 =	sshll.u32 s1, $0x6;
	[smem:$0x7FF] =	sst s2  }
0xb: {  	s1 =	ssub.s32 $0x2, s1;
	s5 =	sor.u32 s5, s3;
	_ =	strace $0x80000047  }
0xc: {  	s3 =	sadd.s32 $0x88E00, s6;
	s25 =	sshrl.u32 s1, $0x1;
	[dreg:$0x7] =	wrdreg s26  }
0xd: {  	s26 =	simm.s32 $0x4100;
	s7 =	sshrl.u32 s5, $0x3;
	s5 =	sshll.u32 s5, $0x7  }
0xe: {  	s1 =	ssub.s32 s1, s25;
	s25 =	simm.s32 $0x3900;
	s8 =	sadd.s32 s7, s6  }
0xf: {  	s4 =	sadd.s32 s4, s7;
	s0 =	sadd.s32 s0, s5;
	s5 =	sadd.s32 $0x89000, s6  }
0x10: {  	v2 =	vlaneseq.u32;
	s7 =	smax.u32 s1, $0x1;
	[dreg:$0x4] =	wrdreg s4;
	s24 =	sadd.s32 $0xE00, s8  }
0x11: {  	vm0 =	vmmov $0xffff;
	v1 =	vshrl.u32 v2, $0x3;
	[dreg:$0x6] =	wrdreg s0;
	s4 =	sadd.s32 $0x88F00, s6;
	s6 =	sadd.s32 $0x89100, s6  }
0x12: {  	v0 =	vand.u32 $0x7, v2;
	v2 =	vor.u32 $0x8, v2;
	v1 =	vmul.u32 $0x8, v1;
	s8 =	simm.s32 $0x2;
	[dreg:$0x5] =	wrdreg s24;
	s24 =	simm.s32 $0x3100  }
.LBB2_1:
0x13: {  	s19 =	rddreg [dreg:$0x4]  }
0x14: {  	[tilespmem:s2], [sflag:$0x2] =	stream.linear.gather [hbm4b:s19+s2], $0x40, $0x38;
	[tilespmem:$0x10100] =	vst v63  }
0x15: {  	_ =	swait.ge [sflag:s8], $0x40  }
0x16: {  	s1 =	rddreg [dreg:$0x5];
	[sflag:s8] =	ssyncset.done $0x0  }
0x17: {  	s20 =	rddreg [dreg:$0x7];
	[sflag:s8] =	ssyncadd.s32 $0xFFFFFFC0  }
0x18: {  	[tilespmem:s20], [sflag:$0x2] =	stream.linear.gather [hbm4b:s1+s2], $0x40, $0x38;
	[tilespmem:$0x10100] =	vst v63  }
0x19: {  	_ =	swait.ge [sflag:s8], $0x40  }
0x1a: {  	[sflag:s8] =	ssyncset.done $0x0  }
0x1b: {  	s0 =	simm.s32 $0x100;
	s9 =	rddreg [dreg:$0x6];
	[sflag:s8] =	ssyncadd.s32 $0xFFFFFFC0  }
0x1c: {  	[tilespmem:s0], [sflag:$0x2] =	stream.linear.gather [hbm4b:s9+s2], $0x10000, $0x38;
	[tilespmem:$0x10100] =	vst v63  }
0x1d: {  	_ =	swait.ge [sflag:s8], $0x10000  }
0x1e: {  	[sflag:s8] =	ssyncset.done $0x0  }
0x1f: {  	[sflag:s8] =	ssyncadd.s32 $0xFFFF0000  }
0x20: {  	v3 =	vld [tilespmem:$0x0];
	_ =	sdelay $0x4  }
0x21: {  	v4 =	vshll.u32 v3, $0x3  }
0x22: {  	v3 =	vand.u32 $0x7, v3;
	v4 =	vand.u32 $0xFFFFFFC0, v4  }
0x23: {  	v3 =	vor.u32 v3, v4  }
0x24: {  	v4 =	vperm.xlane v3, v0;
	_ =	sdelay $0x1  }
0x25: {  	v4 =	vadd.s32 v1, v4;
	_ =	sdelay $0x4  }
0x26: {  	[hbm4b:s3+s2] =	stream.indirect_vreg.scatter [tilespmem:s0], [sflag:$0x1], $0x80, v4, vm0, $0xb8;
	[tilespmem:$0x10100] =	vst v63  }
0x27: {  	s19 =	simm.s32 $0x900;
	v3 =	vperm.xlane v3, v2  }
0x28: {  	[hbm4b:s4+s2] =	stream.indirect_vreg.scatter [tilespmem:s19], [sflag:$0x1], $0x80, v4, vm0, $0xb8;
	[tilespmem:$0x10100] =	vst v63  }
0x29: {  	s20 =	simm.s32 $0x1100;
	v3 =	vadd.s32 v1, v3  }
0x2a: {  	[hbm4b:s5+s2] =	stream.indirect_vreg.scatter [tilespmem:s20], [sflag:$0x1], $0x80, v4, vm0, $0xb8;
	[tilespmem:$0x10100] =	vst v63  }
0x2b: {  	_ = 	snop  }
0x2c: {  	[hbm4b:s6+s2] =	stream.indirect_vreg.scatter [tilespmem:s21], [sflag:$0x1], $0x80, v4, vm0, $0xb8;
	[tilespmem:$0x10100] =	vst v63  }
0x2d: {  	_ = 	snop  }
0x2e: {  	[hbm4b:s3+s2] =	stream.indirect_vreg.scatter [tilespmem:s22], [sflag:$0x1], $0x80, v3, vm0, $0xb8;
	[tilespmem:$0x10100] =	vst v63  }
0x2f: {  	_ = 	snop  }
0x30: {  	[hbm4b:s4+s2] =	stream.indirect_vreg.scatter [tilespmem:s23], [sflag:$0x1], $0x80, v3, vm0, $0xb8;
	[tilespmem:$0x10100] =	vst v63  }
0x31: {  	_ = 	snop  }
0x32: {  	[hbm4b:s5+s2] =	stream.indirect_vreg.scatter [tilespmem:s24], [sflag:$0x1], $0x80, v3, vm0, $0xb8;
	[tilespmem:$0x10100] =	vst v63  }
0x33: {  	_ = 	snop  }
0x34: {  	[hbm4b:s6+s2] =	stream.indirect_vreg.scatter [tilespmem:s25], [sflag:$0x1], $0x80, v3, vm0, $0xb8;
	[tilespmem:$0x10100] =	vst v63  }
0x35: {  	v3 =	vld [tilespmem:$0x10];
	_ =	sdelay $0x4  }
0x36: {  	v57 =	vshll.u32 v3, $0x3  }
0x37: {  	v3 =	vand.u32 $0x7, v3;
	v4 =	vand.u32 $0xFFFFFFC0, v57  }
0x38: {  	v3 =	vor.u32 v3, v4  }
0x39: {  	v4 =	vperm.xlane v3, v0;
	_ =	sdelay $0x1  }
0x3a: {  	v4 =	vadd.s32 v1, v4;
	_ =	sdelay $0x4  }
0x3b: {  	[hbm4b:s3+s2] =	stream.indirect_vreg.scatter [tilespmem:s26], [sflag:$0x1], $0x80, v4, vm0, $0xb8;
	[tilespmem:$0x10100] =	vst v63  }
0x3c: {  	v3 =	vperm.xlane v3, v2  }
0x3d: {  	[hbm4b:s4+s2] =	stream.indirect_vreg.scatter [tilespmem:s28], [sflag:$0x1], $0x80, v4, vm0, $0xb8;
	[tilespmem:$0x10100] =	vst v63  }
0x3e: {  	v3 =	vadd.s32 v1, v3  }
0x3f: {  	[hbm4b:s5+s2] =	stream.indirect_vreg.scatter [tilespmem:s29], [sflag:$0x1], $0x80, v4, vm0, $0xb8;
	[tilespmem:$0x10100] =	vst v63  }
0x40: {  	_ = 	snop  }
0x41: {  	[hbm4b:s6+s2] =	stream.indirect_vreg.scatter [tilespmem:s30], [sflag:$0x1], $0x80, v4, vm0, $0xb8;
	[tilespmem:$0x10100] =	vst v63  }
0x42: {  	_ = 	snop  }
0x43: {  	[hbm4b:s3+s2] =	stream.indirect_vreg.scatter [tilespmem:s31], [sflag:$0x1], $0x80, v3, vm0, $0xb8;
	[tilespmem:$0x10100] =	vst v63  }
0x44: {  	s1 =	simm.s32 $0x6900  }
0x45: {  	[hbm4b:s4+s2] =	stream.indirect_vreg.scatter [tilespmem:s1], [sflag:$0x1], $0x80, v3, vm0, $0xb8;
	[tilespmem:$0x10100] =	vst v63  }
0x46: {  	s9 =	simm.s32 $0x7100  }
0x47: {  	[hbm4b:s5+s2] =	stream.indirect_vreg.scatter [tilespmem:s9], [sflag:$0x1], $0x80, v3, vm0, $0xb8;
	[tilespmem:$0x10100] =	vst v63  }
0x48: {  	_ = 	snop  }
0x49: {  	[hbm4b:s6+s2] =	stream.indirect_vreg.scatter [tilespmem:s10], [sflag:$0x1], $0x80, v3, vm0, $0xb8;
	[tilespmem:$0x10100] =	vst v63  }
0x4a: {  	v3 =	vld [tilespmem:$0x20];
	_ =	sdelay $0x4  }
0x4b: {  	v58 =	vshll.u32 v3, $0x3  }
0x4c: {  	v3 =	vand.u32 $0x7, v3;
	v4 =	vand.u32 $0xFFFFFFC0, v58  }
0x4d: {  	v3 =	vor.u32 v3, v4  }
0x4e: {  	v4 =	vperm.xlane v3, v0;
	_ =	sdelay $0x1  }
0x4f: {  	v4 =	vadd.s32 v1, v4;
	_ =	sdelay $0x4  }
0x50: {  	[hbm4b:s3+s2] =	stream.indirect_vreg.scatter [tilespmem:s11], [sflag:$0x1], $0x80, v4, vm0, $0xb8;
	[tilespmem:$0x10100] =	vst v63  }
0x51: {  	v3 =	vperm.xlane v3, v2  }
0x52: {  	[hbm4b:s4+s2] =	stream.indirect_vreg.scatter [tilespmem:s12], [sflag:$0x1], $0x80, v4, vm0, $0xb8;
	[tilespmem:$0x10100] =	vst v63  }
0x53: {  	v3 =	vadd.s32 v1, v3  }
0x54: {  	[hbm4b:s5+s2] =	stream.indirect_vreg.scatter [tilespmem:s13], [sflag:$0x1], $0x80, v4, vm0, $0xb8;
	[tilespmem:$0x10100] =	vst v63  }
0x55: {  	_ = 	snop  }
0x56: {  	[hbm4b:s6+s2] =	stream.indirect_vreg.scatter [tilespmem:s14], [sflag:$0x1], $0x80, v4, vm0, $0xb8;
	[tilespmem:$0x10100] =	vst v63  }
0x57: {  	_ = 	snop  }
0x58: {  	[hbm4b:s3+s2] =	stream.indirect_vreg.scatter [tilespmem:s15], [sflag:$0x1], $0x80, v3, vm0, $0xb8;
	[tilespmem:$0x10100] =	vst v63  }
0x59: {  	_ = 	snop  }
0x5a: {  	[hbm4b:s4+s2] =	stream.indirect_vreg.scatter [tilespmem:s16], [sflag:$0x1], $0x80, v3, vm0, $0xb8;
	[tilespmem:$0x10100] =	vst v63  }
0x5b: {  	_ = 	snop  }
0x5c: {  	[hbm4b:s5+s2] =	stream.indirect_vreg.scatter [tilespmem:s17], [sflag:$0x1], $0x80, v3, vm0, $0xb8;
	[tilespmem:$0x10100] =	vst v63  }
0x5d: {  	s9 =	simm.s32 $0xB900  }
0x5e: {  	[hbm4b:s6+s2] =	stream.indirect_vreg.scatter [tilespmem:s9], [sflag:$0x1], $0x80, v3, vm0, $0xb8;
	[tilespmem:$0x10100] =	vst v63  }
0x5f: {  	v3 =	vld [tilespmem:$0x30];
	_ =	sdelay $0x4  }
0x60: {  	v59 =	vshll.u32 v3, $0x3  }
0x61: {  	v3 =	vand.u32 $0x7, v3;
	v4 =	vand.u32 $0xFFFFFFC0, v59  }
0x62: {  	v3 =	vor.u32 v3, v4  }
0x63: {  	v4 =	vperm.xlane v3, v0;
	_ =	sdelay $0x1  }
0x64: {  	v4 =	vadd.s32 v1, v4;
	_ =	sdelay $0x3  }
0x65: {  	s1 =	simm.s32 $0xC100  }
0x66: {  	[hbm4b:s3+s2] =	stream.indirect_vreg.scatter [tilespmem:s1], [sflag:$0x1], $0x80, v4, vm0, $0xb8;
	[tilespmem:$0x10100] =	vst v63  }
0x67: {  	v3 =	vperm.xlane v3, v2;
	s1 =	simm.s32 $0xC900  }
0x68: {  	[hbm4b:s4+s2] =	stream.indirect_vreg.scatter [tilespmem:s1], [sflag:$0x1], $0x80, v4, vm0, $0xb8;
	[tilespmem:$0x10100] =	vst v63  }
0x69: {  	v3 =	vadd.s32 v1, v3;
	s1 =	simm.s32 $0xD100  }
0x6a: {  	[hbm4b:s5+s2] =	stream.indirect_vreg.scatter [tilespmem:s1], [sflag:$0x1], $0x80, v4, vm0, $0xb8;
	[tilespmem:$0x10100] =	vst v63  }
0x6b: {  	s1 =	simm.s32 $0xD900  }
0x6c: {  	[hbm4b:s6+s2] =	stream.indirect_vreg.scatter [tilespmem:s1], [sflag:$0x1], $0x80, v4, vm0, $0xb8;
	[tilespmem:$0x10100] =	vst v63  }
0x6d: {  	s1 =	simm.s32 $0xE100  }
0x6e: {  	[hbm4b:s3+s2] =	stream.indirect_vreg.scatter [tilespmem:s1], [sflag:$0x1], $0x80, v3, vm0, $0xb8;
	[tilespmem:$0x10100] =	vst v63  }
0x6f: {  	s1 =	simm.s32 $0xE900  }
0x70: {  	[hbm4b:s4+s2] =	stream.indirect_vreg.scatter [tilespmem:s1], [sflag:$0x1], $0x80, v3, vm0, $0xb8;
	[tilespmem:$0x10100] =	vst v63  }
0x71: {  	s1 =	simm.s32 $0xF100  }
0x72: {  	[hbm4b:s5+s2] =	stream.indirect_vreg.scatter [tilespmem:s1], [sflag:$0x1], $0x80, v3, vm0, $0xb8;
	[tilespmem:$0x10100] =	vst v63  }
0x73: {  	s1 =	simm.s32 $0xF900  }
0x74: {  	[hbm4b:s6+s2] =	stream.indirect_vreg.scatter [tilespmem:s1], [sflag:$0x1], $0x80, v3, vm0, $0xb8;
	[tilespmem:$0x10100] =	vst v63  }
0x75: {  	_ =	swait.ge [sflag:s18], $0x10000  }
0x76: {  	[sflag:s18] =	ssyncset.done $0x0  }
0x77: {  	[sflag:s18] =	ssyncadd.s32 $0xFFFF0000  }
0x78: {  	v3 =	vld [tilespmem:$0x80];
	_ =	sdelay $0x4  }
0x79: {  	v60 =	vshll.u32 v3, $0x3  }
0x7a: {  	v3 =	vand.u32 $0x7, v3;
	v4 =	vand.u32 $0xFFFFFFC0, v60  }
0x7b: {  	v3 =	vor.u32 v3, v4  }
0x7c: {  	v4 =	vperm.xlane v3, v0;
	_ =	sdelay $0x1  }
0x7d: {  	v4 =	vadd.s32 v1, v4;
	_ =	sdelay $0x4  }
0x7e: {  	[hbm4b:s3+s2] =	stream.indirect_vreg.scatter [tilespmem:s0], [sflag:$0x1], $0x80, v4, vm0, $0xb8;
	[tilespmem:$0x10100] =	vst v63  }
0x7f: {  	v3 =	vperm.xlane v3, v2  }
0x80: {  	[hbm4b:s4+s2] =	stream.indirect_vreg.scatter [tilespmem:s19], [sflag:$0x1], $0x80, v4, vm0, $0xb8;
	[tilespmem:$0x10100] =	vst v63  }
0x81: {  	v3 =	vadd.s32 v1, v3  }
0x82: {  	[hbm4b:s5+s2] =	stream.indirect_vreg.scatter [tilespmem:s20], [sflag:$0x1], $0x80, v4, vm0, $0xb8;
	[tilespmem:$0x10100] =	vst v63  }
0x83: {  	_ = 	snop  }
0x84: {  	[hbm4b:s6+s2] =	stream.indirect_vreg.scatter [tilespmem:s21], [sflag:$0x1], $0x80, v4, vm0, $0xb8;
	[tilespmem:$0x10100] =	vst v63  }
0x85: {  	_ = 	snop  }
0x86: {  	[hbm4b:s3+s2] =	stream.indirect_vreg.scatter [tilespmem:s22], [sflag:$0x1], $0x80, v3, vm0, $0xb8;
	[tilespmem:$0x10100] =	vst v63  }
0x87: {  	_ = 	snop  }
0x88: {  	[hbm4b:s4+s2] =	stream.indirect_vreg.scatter [tilespmem:s23], [sflag:$0x1], $0x80, v3, vm0, $0xb8;
	[tilespmem:$0x10100] =	vst v63  }
0x89: {  	_ = 	snop  }
0x8a: {  	[hbm4b:s5+s2] =	stream.indirect_vreg.scatter [tilespmem:s24], [sflag:$0x1], $0x80, v3, vm0, $0xb8;
	[tilespmem:$0x10100] =	vst v63  }
0x8b: {  	_ = 	snop  }
0x8c: {  	[hbm4b:s6+s2] =	stream.indirect_vreg.scatter [tilespmem:s25], [sflag:$0x1], $0x80, v3, vm0, $0xb8;
	[tilespmem:$0x10100] =	vst v63  }
0x8d: {  	v3 =	vld [tilespmem:$0x90];
	_ =	sdelay $0x4  }
0x8e: {  	v61 =	vshll.u32 v3, $0x3  }
0x8f: {  	v3 =	vand.u32 $0x7, v3;
	v4 =	vand.u32 $0xFFFFFFC0, v61  }
0x90: {  	v3 =	vor.u32 v3, v4  }
0x91: {  	v4 =	vperm.xlane v3, v0;
	_ =	sdelay $0x1  }
0x92: {  	v4 =	vadd.s32 v1, v4;
	_ =	sdelay $0x4  }
0x93: {  	[hbm4b:s3+s2] =	stream.indirect_vreg.scatter [tilespmem:s26], [sflag:$0x1], $0x80, v4, vm0, $0xb8;
	[tilespmem:$0x10100] =	vst v63  }
0x94: {  	v3 =	vperm.xlane v3, v2  }
0x95: {  	[hbm4b:s4+s2] =	stream.indirect_vreg.scatter [tilespmem:s28], [sflag:$0x1], $0x80, v4, vm0, $0xb8;
	[tilespmem:$0x10100] =	vst v63  }
0x96: {  	v3 =	vadd.s32 v1, v3  }
0x97: {  	[hbm4b:s5+s2] =	stream.indirect_vreg.scatter [tilespmem:s29], [sflag:$0x1], $0x80, v4, vm0, $0xb8;
	[tilespmem:$0x10100] =	vst v63  }
0x98: {  	_ = 	snop  }
0x99: {  	[hbm4b:s6+s2] =	stream.indirect_vreg.scatter [tilespmem:s30], [sflag:$0x1], $0x80, v4, vm0, $0xb8;
	[tilespmem:$0x10100] =	vst v63  }
0x9a: {  	_ = 	snop  }
0x9b: {  	[hbm4b:s3+s2] =	stream.indirect_vreg.scatter [tilespmem:s31], [sflag:$0x1], $0x80, v3, vm0, $0xb8;
	[tilespmem:$0x10100] =	vst v63  }
0x9c: {  	s20 =	simm.s32 $0x6900  }
0x9d: {  	[hbm4b:s4+s2] =	stream.indirect_vreg.scatter [tilespmem:s20], [sflag:$0x1], $0x80, v3, vm0, $0xb8;
	[tilespmem:$0x10100] =	vst v63  }
0x9e: {  	s19 =	simm.s32 $0x7100  }
0x9f: {  	[hbm4b:s5+s2] =	stream.indirect_vreg.scatter [tilespmem:s19], [sflag:$0x1], $0x80, v3, vm0, $0xb8;
	[tilespmem:$0x10100] =	vst v63  }
0xa0: {  	_ = 	snop  }
0xa1: {  	[hbm4b:s6+s2] =	stream.indirect_vreg.scatter [tilespmem:s10], [sflag:$0x1], $0x80, v3, vm0, $0xb8;
	[tilespmem:$0x10100] =	vst v63  }
0xa2: {  	v3 =	vld [tilespmem:$0xA0];
	_ =	sdelay $0x4  }
0xa3: {  	v62 =	vshll.u32 v3, $0x3  }
0xa4: {  	v3 =	vand.u32 $0x7, v3;
	v4 =	vand.u32 $0xFFFFFFC0, v62  }
0xa5: {  	v3 =	vor.u32 v3, v4  }
0xa6: {  	v4 =	vperm.xlane v3, v0;
	_ =	sdelay $0x1  }
0xa7: {  	v4 =	vadd.s32 v1, v4;
	_ =	sdelay $0x4  }
0xa8: {  	[hbm4b:s3+s2] =	stream.indirect_vreg.scatter [tilespmem:s11], [sflag:$0x1], $0x80, v4, vm0, $0xb8;
	[tilespmem:$0x10100] =	vst v63  }
0xa9: {  	v3 =	vperm.xlane v3, v2  }
0xaa: {  	[hbm4b:s4+s2] =	stream.indirect_vreg.scatter [tilespmem:s12], [sflag:$0x1], $0x80, v4, vm0, $0xb8;
	[tilespmem:$0x10100] =	vst v63  }
0xab: {  	v3 =	vadd.s32 v1, v3  }
0xac: {  	[hbm4b:s5+s2] =	stream.indirect_vreg.scatter [tilespmem:s13], [sflag:$0x1], $0x80, v4, vm0, $0xb8;
	[tilespmem:$0x10100] =	vst v63  }
0xad: {  	_ = 	snop  }
0xae: {  	[hbm4b:s6+s2] =	stream.indirect_vreg.scatter [tilespmem:s14], [sflag:$0x1], $0x80, v4, vm0, $0xb8;
	[tilespmem:$0x10100] =	vst v63  }
0xaf: {  	_ = 	snop  }
0xb0: {  	[hbm4b:s3+s2] =	stream.indirect_vreg.scatter [tilespmem:s15], [sflag:$0x1], $0x80, v3, vm0, $0xb8;
	[tilespmem:$0x10100] =	vst v63  }
0xb1: {  	_ = 	snop  }
0xb2: {  	[hbm4b:s4+s2] =	stream.indirect_vreg.scatter [tilespmem:s16], [sflag:$0x1], $0x80, v3, vm0, $0xb8;
	[tilespmem:$0x10100] =	vst v63  }
0xb3: {  	_ = 	snop  }
0xb4: {  	[hbm4b:s5+s2] =	stream.indirect_vreg.scatter [tilespmem:s17], [sflag:$0x1], $0x80, v3, vm0, $0xb8;
	[tilespmem:$0x10100] =	vst v63  }
0xb5: {  	_ = 	snop  }
0xb6: {  	[hbm4b:s6+s2] =	stream.indirect_vreg.scatter [tilespmem:s9], [sflag:$0x1], $0x80, v3, vm0, $0xb8;
	[tilespmem:$0x10100] =	vst v63  }
0xb7: {  	v3 =	vld [tilespmem:$0xB0];
	_ =	sdelay $0x4  }
0xb8: {  	v63 =	vshll.u32 v3, $0x3  }
0xb9: {  	v3 =	vand.u32 $0x7, v3;
	v4 =	vand.u32 $0xFFFFFFC0, v63  }
0xba: {  	v3 =	vor.u32 v3, v4  }
0xbb: {  	v4 =	vperm.xlane v3, v0;
	_ =	sdelay $0x1  }
0xbc: {  	v4 =	vadd.s32 v1, v4;
	_ =	sdelay $0x3  }
0xbd: {  	s20 =	simm.s32 $0xC100  }
0xbe: {  	[hbm4b:s3+s2] =	stream.indirect_vreg.scatter [tilespmem:s20], [sflag:$0x1], $0x80, v4, vm0, $0xb8;
	[tilespmem:$0x10100] =	vst v63  }
0xbf: {  	s9 =	simm.s32 $0xC900;
	v3 =	vperm.xlane v3, v2  }
0xc0: {  	[hbm4b:s4+s2] =	stream.indirect_vreg.scatter [tilespmem:s9], [sflag:$0x1], $0x80, v4, vm0, $0xb8;
	[tilespmem:$0x10100] =	vst v63  }
0xc1: {  	s19 =	simm.s32 $0xD100;
	v3 =	vadd.s32 v1, v3  }
0xc2: {  	[hbm4b:s5+s2] =	stream.indirect_vreg.scatter [tilespmem:s19], [sflag:$0x1], $0x80, v4, vm0, $0xb8;
	[tilespmem:$0x10100] =	vst v63  }
0xc3: {  	s20 =	simm.s32 $0xD900  }
0xc4: {  	[hbm4b:s6+s2] =	stream.indirect_vreg.scatter [tilespmem:s20], [sflag:$0x1], $0x80, v4, vm0, $0xb8;
	[tilespmem:$0x10100] =	vst v63  }
0xc5: {  	s9 =	simm.s32 $0xE100  }
0xc6: {  	[hbm4b:s3+s2] =	stream.indirect_vreg.scatter [tilespmem:s9], [sflag:$0x1], $0x80, v3, vm0, $0xb8;
	[tilespmem:$0x10100] =	vst v63  }
0xc7: {  	s19 =	simm.s32 $0xE900  }
0xc8: {  	[hbm4b:s4+s2] =	stream.indirect_vreg.scatter [tilespmem:s19], [sflag:$0x1], $0x80, v3, vm0, $0xb8;
	[tilespmem:$0x10100] =	vst v63  }
0xc9: {  	p0 =	sne.s32 s7, $0x1;
	s20 =	simm.s32 $0xF100  }
0xca: {  	[hbm4b:s5+s2] =	stream.indirect_vreg.scatter [tilespmem:s20], [sflag:$0x1], $0x80, v3, vm0, $0xb8;
	[tilespmem:$0x10100] =	vst v63  }
.Ltmp0:
0xcb: {  	_ = 	snop;
	(pc) =	sbr.rel @p0 .LBB2_1-.Ltmp0, $4  }
0xcc: {  	[hbm4b:s6+s2] =	stream.indirect_vreg.scatter [tilespmem:s1], [sflag:$0x1], $0x80, v3, vm0, $0xb8;
	[tilespmem:$0x10100] =	vst v63  }
0xcd: {  	_ =	swait.ge [sflag:s18], $0x10000  }
0xce: {  	[sflag:s18] =	ssyncset.done $0x0  }
0xcf: {  	s7 =	sadd.s32 $0xFFFFFFFF, s7;
	[sflag:s18] =	ssyncadd.s32 $0xFFFF0000  }
0xd0: {  	_ =	sfence.sel $0x180000  }
0xd1: {  	[bflag:$0x0] =	sbarrier.arrive $0xFFFF  }
0xd2: {  	_ =	strace $0x90000047  }
0xd3: {  	s0 =	stileid.u32;
	[bflag:$0x2] =	sbarrier.arrive $0xFFFF  }
0xd4: {  	p0 =	sne.s32 s0, $0x0;
	s0 =	rddreg [dreg:$0x3]  }
0xd5: {  	s0 =	sadd.s32 @!p0 $0x100000, s0  }
0xd6: {  	[sflag:s0] =	ssyncadd.tile.s32 @!p0 $0x1;
	_ =	shalt  }
.Lfunc_end2:
_tile_overlayer_lowered:
.L_overlay_start_2:
0xd7: {  	(tag) =	ssettag $0x2  }
0xd8: {  	s0 =	rddreg [dreg:$0x0];
	s2 =	stileid.u32  }
0xd9: {  	s1 =	rddreg [dreg:$0x1];
	p0 =	sne.s32 s2, $0x0  }
0xda: {  	s3 =	rddreg [dreg:$0x2];
	[bflag:$0x3] =	sbarrier.arrive $0xFFFF;
	s2 =	simm.s32 @!p0 $0x1C02  }
0xdb: {  	[timem:s3], [sflag:s2] =	dma.local @!p0 [hbm:s0], s1  }
0xdc: {  	s0 =	simm.s32 @!p0 $0x2  }
0xdd: {  	_ =	swait.ge @!p0 [sflag:s0], s1  }
0xde: {  	s1 =	ssub.s32 @!p0 $0x0, s1;
	[sflag:s0] =	ssyncset.done @!p0 $0x0  }
0xdf: {  	[sflag:s0] =	ssyncadd.s32 @!p0 s1  }
0xe0: {  	[bflag:$0x3] =	sbarrier.arrive $0xFFFF  }
0xe1: {  	_ =	shalt  }

</sc_bundles>
